<compile_context>
chip_gen: v7x
topology: tpu7x:2x2x1
jax: 0.10.2.dev20260603
libtpu: 0.0.44.dev20260713+nightly
codegen_flags: <defaults>
</compile_context>

<pallas_src>
import functools

import jax
import jax.numpy as jnp
from jax import lax
from jax.experimental import pallas as pl
from jax.experimental.pallas import tpu as pltpu
from jax.experimental.pallas import tpu_sc as plsc

_FEATURE_INDEX = 3
_LANES = 16


def _build_sc_call(batch):
    info = plsc.get_sparse_core_info()
    num_cores, num_subcores = 1, info.num_subcores
    num_workers = num_cores * num_subcores
    per_worker = batch // num_workers
    assert per_worker % _LANES == 0 and per_worker % 8 == 0

    mesh = plsc.VectorSubcoreMesh(
        core_axis_name="c",
        subcore_axis_name="s",
        num_cores=num_cores,
        num_subcores=num_subcores,
    )

    @functools.partial(
        pl.kernel,
        mesh=mesh,
        out_type=jax.ShapeDtypeStruct((batch,), jnp.float32),
        scratch_types=[
            pltpu.VMEM((per_worker,), jnp.float32),
            pltpu.VMEM((_LANES,), jnp.float32),
            pltpu.VMEM((_LANES,), jnp.float32),
            pltpu.SemaphoreType.DMA,
        ],
    )
    def sc_affine(x_hbm, scale_hbm, min_hbm, out_hbm, x_v, sc_v, mn_v, sem):
        wid = lax.axis_index("s") * num_cores + lax.axis_index("c")
        base = wid * per_worker
        window = (_FEATURE_INDEX // _LANES) * _LANES
        cp_x = pltpu.async_copy(x_hbm.at[pl.ds(base, per_worker)], x_v, sem)
        cp_s = pltpu.async_copy(scale_hbm.at[pl.ds(window, _LANES)], sc_v, sem)
        cp_m = pltpu.async_copy(min_hbm.at[pl.ds(window, _LANES)], mn_v, sem)
        cp_x.wait()
        cp_s.wait()
        cp_m.wait()
        s = jnp.full((_LANES,), sc_v[...][_FEATURE_INDEX - window])
        m = jnp.full((_LANES,), mn_v[...][_FEATURE_INDEX - window])
        for i in range(per_worker // _LANES):
            sl = pl.ds(i * _LANES, _LANES)
            x_v[sl] = x_v[sl] * s + m
        pltpu.sync_copy(x_v, out_hbm.at[pl.ds(base, per_worker)])

    return sc_affine


def kernel(inputs, scaler_scale, scaler_min):
    batch = inputs.shape[0]
    x = inputs.reshape(batch)
    return _build_sc_call(batch)(x, scaler_scale, scaler_min)

# --- scband reference (transcript-rebuilt; emitter-appended) ---
"""Pipeline reference for scband-inverse-transform-89979564851351 (READ-ONLY COPY).

The authoritative reference and input builder live on the scoring server;
editing this copy changes nothing except your own understanding.
"""

import jax, jax.numpy as jnp
import numpy as np

N_FEATURES = 256
FEATURE_INDEX = 3
BATCH = 16384

def setup_inputs(seed: int = 0) -> dict:
    key = jax.random.key(seed)
    k1, k2, k3 = jax.random.split(key, 3)
    inputs = jax.random.normal(k1, (BATCH, 1), dtype=jnp.float32)
    # scaler modeled as an affine inverse transform: X * scale + min (e.g. MinMaxScaler data_range_/data_min_)
    scaler_scale = jax.random.uniform(k2, (N_FEATURES,), dtype=jnp.float32, minval=0.5, maxval=2.0)
    scaler_min = jax.random.normal(k3, (N_FEATURES,), dtype=jnp.float32)
    return {"inputs": inputs, "scaler_scale": scaler_scale, "scaler_min": scaler_min}

def reference(inputs, scaler_scale, scaler_min):
    batch_size = inputs.shape[0]
    # dummy buffer of zeros [B, n_features]
    dummy = jnp.zeros((batch_size, N_FEATURES), dtype=jnp.float32)
    updates_flat = jnp.squeeze(inputs, axis=1)
    # scatter-overwrite: one write per row at column FEATURE_INDEX
    row_idx = jnp.arange(batch_size, dtype=jnp.int32)
    col_idx = jnp.full((batch_size,), FEATURE_INDEX, dtype=jnp.int32)
    dummy = dummy.at[row_idx, col_idx].set(updates_flat)
    # scaler.inverse_transform(dummy): affine per-feature inverse
    inverted = dummy * scaler_scale[None, :] + scaler_min[None, :]
    return inverted[:, FEATURE_INDEX]

if __name__ == "__main__":
    import jax
    _d = setup_inputs()
    print(jax.jit(kernel)(*tuple(_d.values())))

</pallas_src>

<mosaic_0001>
#map = affine_map<(d0, d1) -> (0)>
module attributes {stable_mosaic.version = 14 : i64} {
  func.func @sc_affine(%arg0: i32, %arg1: i32, %arg2: memref<16384xf32, #tpu.memory_space<hbm>>, %arg3: memref<256xf32, #tpu.memory_space<hbm>>, %arg4: memref<256xf32, #tpu.memory_space<hbm>>, %arg5: memref<16384xf32, #tpu.memory_space<hbm>>, %arg6: memref<1024xf32, #tpu.memory_space<vmem>>, %arg7: memref<16xf32, #tpu.memory_space<vmem>>, %arg8: memref<16xf32, #tpu.memory_space<vmem>>, %arg9: memref<!tpu.dma_semaphore, #tpu.memory_space<semaphore_mem>>) attributes {dimension_semantics = [#tpu.dimension_semantics<core_parallel>, #tpu.dimension_semantics<subcore_parallel>], iteration_bounds = array<i64: 1, 16>, scalar_prefetch = 0 : i64, scratch_operands = 4 : i64, tpu.core_type = #tpu.core_type<sc_vector_subcore>, window_params = [{transform_indices = #map}, {transform_indices = #map}, {transform_indices = #map}, {transform_indices = #map}]} {
    %mul3A = arith.constant 1 : i32
    %mul3A_0 = arith.muli %arg1, %mul3A : i32
    %add3A = arith.addi %mul3A_0, %arg0 : i32
    %mul3A_1 = arith.constant 1024 : i32
    %mul3A_2 = arith.muli %add3A, %mul3A_1 : i32
    %dma_start3A = tpu.memref_slice %arg2[%mul3A_2] : memref<16384xf32, #tpu.memory_space<hbm>> -> memref<1024xf32, #tpu.memory_space<hbm>>
    %dma_start3A_3 = tpu.memref_slice %arg2[%mul3A_2] : memref<16384xf32, #tpu.memory_space<hbm>> -> memref<1024xf32, #tpu.memory_space<hbm>>
    tpu.enqueue_dma source(%dma_start3A_3 : memref<1024xf32, #tpu.memory_space<hbm>>) target(%arg6 : memref<1024xf32, #tpu.memory_space<vmem>>) target_semaphore(%arg9 : memref<!tpu.dma_semaphore, #tpu.memory_space<semaphore_mem>>)
    %dma_start3A_4 = arith.constant 0 : i32
    %dma_start3A_5 = tpu.memref_slice %arg3[%dma_start3A_4] : memref<256xf32, #tpu.memory_space<hbm>> -> memref<16xf32, #tpu.memory_space<hbm>>
    %dma_start3A_6 = arith.constant 0 : i32
    %dma_start3A_7 = tpu.memref_slice %arg3[%dma_start3A_6] : memref<256xf32, #tpu.memory_space<hbm>> -> memref<16xf32, #tpu.memory_space<hbm>>
    tpu.enqueue_dma source(%dma_start3A_7 : memref<16xf32, #tpu.memory_space<hbm>>) target(%arg7 : memref<16xf32, #tpu.memory_space<vmem>>) target_semaphore(%arg9 : memref<!tpu.dma_semaphore, #tpu.memory_space<semaphore_mem>>)
    %dma_start3A_8 = arith.constant 0 : i32
    %dma_start3A_9 = tpu.memref_slice %arg4[%dma_start3A_8] : memref<256xf32, #tpu.memory_space<hbm>> -> memref<16xf32, #tpu.memory_space<hbm>>
    %dma_start3A_10 = arith.constant 0 : i32
    %dma_start3A_11 = tpu.memref_slice %arg4[%dma_start3A_10] : memref<256xf32, #tpu.memory_space<hbm>> -> memref<16xf32, #tpu.memory_space<hbm>>
    tpu.enqueue_dma source(%dma_start3A_11 : memref<16xf32, #tpu.memory_space<hbm>>) target(%arg8 : memref<16xf32, #tpu.memory_space<vmem>>) target_semaphore(%arg9 : memref<!tpu.dma_semaphore, #tpu.memory_space<semaphore_mem>>)
    %dma_wait3A = tpu.memref_slice %arg2[%mul3A_2] : memref<16384xf32, #tpu.memory_space<hbm>> -> memref<1024xf32, #tpu.memory_space<hbm>>
    %dma_wait3A_12 = tpu.memref_slice %arg2[%mul3A_2] : memref<16384xf32, #tpu.memory_space<hbm>> -> memref<1024xf32, #tpu.memory_space<hbm>>
    tpu.wait_dma2 semaphore(%arg9 : memref<!tpu.dma_semaphore, #tpu.memory_space<semaphore_mem>>) src(%dma_wait3A_12 : memref<1024xf32, #tpu.memory_space<hbm>>) dst(%arg6 : memref<1024xf32, #tpu.memory_space<vmem>>)
    %dma_wait3A_13 = arith.constant 0 : i32
    %dma_wait3A_14 = tpu.memref_slice %arg3[%dma_wait3A_13] : memref<256xf32, #tpu.memory_space<hbm>> -> memref<16xf32, #tpu.memory_space<hbm>>
    %dma_wait3A_15 = arith.constant 0 : i32
    %dma_wait3A_16 = tpu.memref_slice %arg3[%dma_wait3A_15] : memref<256xf32, #tpu.memory_space<hbm>> -> memref<16xf32, #tpu.memory_space<hbm>>
    tpu.wait_dma2 semaphore(%arg9 : memref<!tpu.dma_semaphore, #tpu.memory_space<semaphore_mem>>) src(%dma_wait3A_16 : memref<16xf32, #tpu.memory_space<hbm>>) dst(%arg7 : memref<16xf32, #tpu.memory_space<vmem>>)
    %dma_wait3A_17 = arith.constant 0 : i32
    %dma_wait3A_18 = tpu.memref_slice %arg4[%dma_wait3A_17] : memref<256xf32, #tpu.memory_space<hbm>> -> memref<16xf32, #tpu.memory_space<hbm>>
    %dma_wait3A_19 = arith.constant 0 : i32
    %dma_wait3A_20 = tpu.memref_slice %arg4[%dma_wait3A_19] : memref<256xf32, #tpu.memory_space<hbm>> -> memref<16xf32, #tpu.memory_space<hbm>>
    tpu.wait_dma2 semaphore(%arg9 : memref<!tpu.dma_semaphore, #tpu.memory_space<semaphore_mem>>) src(%dma_wait3A_20 : memref<16xf32, #tpu.memory_space<hbm>>) dst(%arg8 : memref<16xf32, #tpu.memory_space<vmem>>)
    %get3A = arith.constant 0 : index
    %get3A_21 = tpu.vector_load %arg7[%get3A] {strides = array<i32>} : memref<16xf32, #tpu.memory_space<vmem>>, vector<16xf32>,
    %get3A_22 = vector.shape_cast %get3A_21 : vector<16xf32> to vector<16xf32>
    %slice3A = vector.extract_strided_slice %get3A_22 {offsets = [3], sizes = [1], strides = [1]} : vector<16xf32> to vector<1xf32>
    %squeeze3A = vector.extract %slice3A[0] : f32 from vector<1xf32>
    %broadcast_in_dim3A = vector.broadcast %squeeze3A : f32 to vector<16xf32>
    %get3A_23 = arith.constant 0 : index
    %get3A_24 = tpu.vector_load %arg8[%get3A_23] {strides = array<i32>} : memref<16xf32, #tpu.memory_space<vmem>>, vector<16xf32>,
    %get3A_25 = vector.shape_cast %get3A_24 : vector<16xf32> to vector<16xf32>
    %slice3A_26 = vector.extract_strided_slice %get3A_25 {offsets = [3], sizes = [1], strides = [1]} : vector<16xf32> to vector<1xf32>
    %squeeze3A_27 = vector.extract %slice3A_26[0] : f32 from vector<1xf32>
    %broadcast_in_dim3A_28 = vector.broadcast %squeeze3A_27 : f32 to vector<16xf32>
    %get3A_29 = arith.constant 0 : index
    %get3A_30 = tpu.vector_load %arg6[%get3A_29] {strides = array<i32>} : memref<1024xf32, #tpu.memory_space<vmem>>, vector<16xf32>,
    %get3A_31 = vector.shape_cast %get3A_30 : vector<16xf32> to vector<16xf32>
    %mul3A_32 = arith.mulf %get3A_31, %broadcast_in_dim3A : vector<16xf32>
    %add3A_33 = arith.addf %mul3A_32, %broadcast_in_dim3A_28 : vector<16xf32>
    %swap3A = arith.constant 0 : index
    %swap3A_34 = tpu.vector_load %arg6[%swap3A] {strides = array<i32>} : memref<1024xf32, #tpu.memory_space<vmem>>, vector<16xf32>,
    %swap3A_35 = vector.shape_cast %swap3A_34 : vector<16xf32> to vector<16xf32>
    %swap3A_36 = vector.shape_cast %add3A_33 : vector<16xf32> to vector<16xf32>
    tpu.vector_store %arg6[%swap3A], %swap3A_36 {strides = array<i32>} : memref<1024xf32, #tpu.memory_space<vmem>>, vector<16xf32>,
    %get3A_37 = arith.constant 16 : index
    %get3A_38 = tpu.vector_load %arg6[%get3A_37] {strides = array<i32>} : memref<1024xf32, #tpu.memory_space<vmem>>, vector<16xf32>,
    %get3A_39 = vector.shape_cast %get3A_38 : vector<16xf32> to vector<16xf32>
    %mul3A_40 = arith.mulf %get3A_39, %broadcast_in_dim3A : vector<16xf32>
    %add3A_41 = arith.addf %mul3A_40, %broadcast_in_dim3A_28 : vector<16xf32>
    %swap3A_42 = arith.constant 16 : index
    %swap3A_43 = tpu.vector_load %arg6[%swap3A_42] {strides = array<i32>} : memref<1024xf32, #tpu.memory_space<vmem>>, vector<16xf32>,
    %swap3A_44 = vector.shape_cast %swap3A_43 : vector<16xf32> to vector<16xf32>
    %swap3A_45 = vector.shape_cast %add3A_41 : vector<16xf32> to vector<16xf32>
    tpu.vector_store %arg6[%swap3A_42], %swap3A_45 {strides = array<i32>} : memref<1024xf32, #tpu.memory_space<vmem>>, vector<16xf32>,
    %get3A_46 = arith.constant 32 : index
    %get3A_47 = tpu.vector_load %arg6[%get3A_46] {strides = array<i32>} : memref<1024xf32, #tpu.memory_space<vmem>>, vector<16xf32>,
    %get3A_48 = vector.shape_cast %get3A_47 : vector<16xf32> to vector<16xf32>
    %mul3A_49 = arith.mulf %get3A_48, %broadcast_in_dim3A : vector<16xf32>
    %add3A_50 = arith.addf %mul3A_49, %broadcast_in_dim3A_28 : vector<16xf32>
    %swap3A_51 = arith.constant 32 : index
    %swap3A_52 = tpu.vector_load %arg6[%swap3A_51] {strides = array<i32>} : memref<1024xf32, #tpu.memory_space<vmem>>, vector<16xf32>,
    %swap3A_53 = vector.shape_cast %swap3A_52 : vector<16xf32> to vector<16xf32>
    %swap3A_54 = vector.shape_cast %add3A_50 : vector<16xf32> to vector<16xf32>
    tpu.vector_store %arg6[%swap3A_51], %swap3A_54 {strides = array<i32>} : memref<1024xf32, #tpu.memory_space<vmem>>, vector<16xf32>,
    %get3A_55 = arith.constant 48 : index
    %get3A_56 = tpu.vector_load %arg6[%get3A_55] {strides = array<i32>} : memref<1024xf32, #tpu.memory_space<vmem>>, vector<16xf32>,
    %get3A_57 = vector.shape_cast %get3A_56 : vector<16xf32> to vector<16xf32>
    %mul3A_58 = arith.mulf %get3A_57, %broadcast_in_dim3A : vector<16xf32>
    %add3A_59 = arith.addf %mul3A_58, %broadcast_in_dim3A_28 : vector<16xf32>
    %swap3A_60 = arith.constant 48 : index
    %swap3A_61 = tpu.vector_load %arg6[%swap3A_60] {strides = array<i32>} : memref<1024xf32, #tpu.memory_space<vmem>>, vector<16xf32>,
    %swap3A_62 = vector.shape_cast %swap3A_61 : vector<16xf32> to vector<16xf32>
    %swap3A_63 = vector.shape_cast %add3A_59 : vector<16xf32> to vector<16xf32>
    tpu.vector_store %arg6[%swap3A_60], %swap3A_63 {strides = array<i32>} : memref<1024xf32, #tpu.memory_space<vmem>>, vector<16xf32>,
    %get3A_64 = arith.constant 64 : index
    %get3A_65 = tpu.vector_load %arg6[%get3A_64] {strides = array<i32>} : memref<1024xf32, #tpu.memory_space<vmem>>, vector<16xf32>,
    %get3A_66 = vector.shape_cast %get3A_65 : vector<16xf32> to vector<16xf32>
    %mul3A_67 = arith.mulf %get3A_66, %broadcast_in_dim3A : vector<16xf32>
    %add3A_68 = arith.addf %mul3A_67, %broadcast_in_dim3A_28 : vector<16xf32>
    %swap3A_69 = arith.constant 64 : index
    %swap3A_70 = tpu.vector_load %arg6[%swap3A_69] {strides = array<i32>} : memref<1024xf32, #tpu.memory_space<vmem>>, vector<16xf32>,
    %swap3A_71 = vector.shape_cast %swap3A_70 : vector<16xf32> to vector<16xf32>
    %swap3A_72 = vector.shape_cast %add3A_68 : vector<16xf32> to vector<16xf32>
    tpu.vector_store %arg6[%swap3A_69], %swap3A_72 {strides = array<i32>} : memref<1024xf32, #tpu.memory_space<vmem>>, vector<16xf32>,
    %get3A_73 = arith.constant 80 : index
    %get3A_74 = tpu.vector_load %arg6[%get3A_73] {strides = array<i32>} : memref<1024xf32, #tpu.memory_space<vmem>>, vector<16xf32>,
    %get3A_75 = vector.shape_cast %get3A_74 : vector<16xf32> to vector<16xf32>
    %mul3A_76 = arith.mulf %get3A_75, %broadcast_in_dim3A : vector<16xf32>
    %add3A_77 = arith.addf %mul3A_76, %broadcast_in_dim3A_28 : vector<16xf32>
    %swap3A_78 = arith.constant 80 : index
    %swap3A_79 = tpu.vector_load %arg6[%swap3A_78] {strides = array<i32>} : memref<1024xf32, #tpu.memory_space<vmem>>, vector<16xf32>,
    %swap3A_80 = vector.shape_cast %swap3A_79 : vector<16xf32> to vector<16xf32>
    %swap3A_81 = vector.shape_cast %add3A_77 : vector<16xf32> to vector<16xf32>
    tpu.vector_store %arg6[%swap3A_78], %swap3A_81 {strides = array<i32>} : memref<1024xf32, #tpu.memory_space<vmem>>, vector<16xf32>,
    %get3A_82 = arith.constant 96 : index
    %get3A_83 = tpu.vector_load %arg6[%get3A_82] {strides = array<i32>} : memref<1024xf32, #tpu.memory_space<vmem>>, vector<16xf32>,
    %get3A_84 = vector.shape_cast %get3A_83 : vector<16xf32> to vector<16xf32>
    %mul3A_85 = arith.mulf %get3A_84, %broadcast_in_dim3A : vector<16xf32>
    %add3A_86 = arith.addf %mul3A_85, %broadcast_in_dim3A_28 : vector<16xf32>
    %swap3A_87 = arith.constant 96 : index
    %swap3A_88 = tpu.vector_load %arg6[%swap3A_87] {strides = array<i32>} : memref<1024xf32, #tpu.memory_space<vmem>>, vector<16xf32>,
    %swap3A_89 = vector.shape_cast %swap3A_88 : vector<16xf32> to vector<16xf32>
    %swap3A_90 = vector.shape_cast %add3A_86 : vector<16xf32> to vector<16xf32>
    tpu.vector_store %arg6[%swap3A_87], %swap3A_90 {strides = array<i32>} : memref<1024xf32, #tpu.memory_space<vmem>>, vector<16xf32>,
    %get3A_91 = arith.constant 112 : index
    %get3A_92 = tpu.vector_load %arg6[%get3A_91] {strides = array<i32>} : memref<1024xf32, #tpu.memory_space<vmem>>, vector<16xf32>,
    %get3A_93 = vector.shape_cast %get3A_92 : vector<16xf32> to vector<16xf32>
    %mul3A_94 = arith.mulf %get3A_93, %broadcast_in_dim3A : vector<16xf32>
    %add3A_95 = arith.addf %mul3A_94, %broadcast_in_dim3A_28 : vector<16xf32>
    %swap3A_96 = arith.constant 112 : index
    %swap3A_97 = tpu.vector_load %arg6[%swap3A_96] {strides = array<i32>} : memref<1024xf32, #tpu.memory_space<vmem>>, vector<16xf32>,
    %swap3A_98 = vector.shape_cast %swap3A_97 : vector<16xf32> to vector<16xf32>
    %swap3A_99 = vector.shape_cast %add3A_95 : vector<16xf32> to vector<16xf32>
    tpu.vector_store %arg6[%swap3A_96], %swap3A_99 {strides = array<i32>} : memref<1024xf32, #tpu.memory_space<vmem>>, vector<16xf32>,
    %get3A_100 = arith.constant 128 : index
    %get3A_101 = tpu.vector_load %arg6[%get3A_100] {strides = array<i32>} : memref<1024xf32, #tpu.memory_space<vmem>>, vector<16xf32>,
    %get3A_102 = vector.shape_cast %get3A_101 : vector<16xf32> to vector<16xf32>
    %mul3A_103 = arith.mulf %get3A_102, %broadcast_in_dim3A : vector<16xf32>
    %add3A_104 = arith.addf %mul3A_103, %broadcast_in_dim3A_28 : vector<16xf32>
    %swap3A_105 = arith.constant 128 : index
    %swap3A_106 = tpu.vector_load %arg6[%swap3A_105] {strides = array<i32>} : memref<1024xf32, #tpu.memory_space<vmem>>, vector<16xf32>,
    %swap3A_107 = vector.shape_cast %swap3A_106 : vector<16xf32> to vector<16xf32>
    %swap3A_108 = vector.shape_cast %add3A_104 : vector<16xf32> to vector<16xf32>
    tpu.vector_store %arg6[%swap3A_105], %swap3A_108 {strides = array<i32>} : memref<1024xf32, #tpu.memory_space<vmem>>, vector<16xf32>,
    %get3A_109 = arith.constant 144 : index
    %get3A_110 = tpu.vector_load %arg6[%get3A_109] {strides = array<i32>} : memref<1024xf32, #tpu.memory_space<vmem>>, vector<16xf32>,
    %get3A_111 = vector.shape_cast %get3A_110 : vector<16xf32> to vector<16xf32>
    %mul3A_112 = arith.mulf %get3A_111, %broadcast_in_dim3A : vector<16xf32>
    %add3A_113 = arith.addf %mul3A_112, %broadcast_in_dim3A_28 : vector<16xf32>
    %swap3A_114 = arith.constant 144 : index
    %swap3A_115 = tpu.vector_load %arg6[%swap3A_114] {strides = array<i32>} : memref<1024xf32, #tpu.memory_space<vmem>>, vector<16xf32>,
    %swap3A_116 = vector.shape_cast %swap3A_115 : vector<16xf32> to vector<16xf32>
    %swap3A_117 = vector.shape_cast %add3A_113 : vector<16xf32> to vector<16xf32>
    tpu.vector_store %arg6[%swap3A_114], %swap3A_117 {strides = array<i32>} : memref<1024xf32, #tpu.memory_space<vmem>>, vector<16xf32>,
    %get3A_118 = arith.constant 160 : index
    %get3A_119 = tpu.vector_load %arg6[%get3A_118] {strides = array<i32>} : memref<1024xf32, #tpu.memory_space<vmem>>, vector<16xf32>,
    %get3A_120 = vector.shape_cast %get3A_119 : vector<16xf32> to vector<16xf32>
    %mul3A_121 = arith.mulf %get3A_120, %broadcast_in_dim3A : vector<16xf32>
    %add3A_122 = arith.addf %mul3A_121, %broadcast_in_dim3A_28 : vector<16xf32>
    %swap3A_123 = arith.constant 160 : index
    %swap3A_124 = tpu.vector_load %arg6[%swap3A_123] {strides = array<i32>} : memref<1024xf32, #tpu.memory_space<vmem>>, vector<16xf32>,
    %swap3A_125 = vector.shape_cast %swap3A_124 : vector<16xf32> to vector<16xf32>
    %swap3A_126 = vector.shape_cast %add3A_122 : vector<16xf32> to vector<16xf32>
    tpu.vector_store %arg6[%swap3A_123], %swap3A_126 {strides = array<i32>} : memref<1024xf32, #tpu.memory_space<vmem>>, vector<16xf32>,
    %get3A_127 = arith.constant 176 : index
    %get3A_128 = tpu.vector_load %arg6[%get3A_127] {strides = array<i32>} : memref<1024xf32, #tpu.memory_space<vmem>>, vector<16xf32>,
    %get3A_129 = vector.shape_cast %get3A_128 : vector<16xf32> to vector<16xf32>
    %mul3A_130 = arith.mulf %get3A_129, %broadcast_in_dim3A : vector<16xf32>
    %add3A_131 = arith.addf %mul3A_130, %broadcast_in_dim3A_28 : vector<16xf32>
    %swap3A_132 = arith.constant 176 : index
    %swap3A_133 = tpu.vector_load %arg6[%swap3A_132] {strides = array<i32>} : memref<1024xf32, #tpu.memory_space<vmem>>, vector<16xf32>,
    %swap3A_134 = vector.shape_cast %swap3A_133 : vector<16xf32> to vector<16xf32>
    %swap3A_135 = vector.shape_cast %add3A_131 : vector<16xf32> to vector<16xf32>
    tpu.vector_store %arg6[%swap3A_132], %swap3A_135 {strides = array<i32>} : memref<1024xf32, #tpu.memory_space<vmem>>, vector<16xf32>,
    %get3A_136 = arith.constant 192 : index
    %get3A_137 = tpu.vector_load %arg6[%get3A_136] {strides = array<i32>} : memref<1024xf32, #tpu.memory_space<vmem>>, vector<16xf32>,
    %get3A_138 = vector.shape_cast %get3A_137 : vector<16xf32> to vector<16xf32>
    %mul3A_139 = arith.mulf %get3A_138, %broadcast_in_dim3A : vector<16xf32>
    %add3A_140 = arith.addf %mul3A_139, %broadcast_in_dim3A_28 : vector<16xf32>
    %swap3A_141 = arith.constant 192 : index
    %swap3A_142 = tpu.vector_load %arg6[%swap3A_141] {strides = array<i32>} : memref<1024xf32, #tpu.memory_space<vmem>>, vector<16xf32>,
    %swap3A_143 = vector.shape_cast %swap3A_142 : vector<16xf32> to vector<16xf32>
    %swap3A_144 = vector.shape_cast %add3A_140 : vector<16xf32> to vector<16xf32>
    tpu.vector_store %arg6[%swap3A_141], %swap3A_144 {strides = array<i32>} : memref<1024xf32, #tpu.memory_space<vmem>>, vector<16xf32>,
    %get3A_145 = arith.constant 208 : index
    %get3A_146 = tpu.vector_load %arg6[%get3A_145] {strides = array<i32>} : memref<1024xf32, #tpu.memory_space<vmem>>, vector<16xf32>,
    %get3A_147 = vector.shape_cast %get3A_146 : vector<16xf32> to vector<16xf32>
    %mul3A_148 = arith.mulf %get3A_147, %broadcast_in_dim3A : vector<16xf32>
    %add3A_149 = arith.addf %mul3A_148, %broadcast_in_dim3A_28 : vector<16xf32>
    %swap3A_150 = arith.constant 208 : index
    %swap3A_151 = tpu.vector_load %arg6[%swap3A_150] {strides = array<i32>} : memref<1024xf32, #tpu.memory_space<vmem>>, vector<16xf32>,
    %swap3A_152 = vector.shape_cast %swap3A_151 : vector<16xf32> to vector<16xf32>
    %swap3A_153 = vector.shape_cast %add3A_149 : vector<16xf32> to vector<16xf32>
    tpu.vector_store %arg6[%swap3A_150], %swap3A_153 {strides = array<i32>} : memref<1024xf32, #tpu.memory_space<vmem>>, vector<16xf32>,
    %get3A_154 = arith.constant 224 : index
    %get3A_155 = tpu.vector_load %arg6[%get3A_154] {strides = array<i32>} : memref<1024xf32, #tpu.memory_space<vmem>>, vector<16xf32>,
    %get3A_156 = vector.shape_cast %get3A_155 : vector<16xf32> to vector<16xf32>
    %mul3A_157 = arith.mulf %get3A_156, %broadcast_in_dim3A : vector<16xf32>
    %add3A_158 = arith.addf %mul3A_157, %broadcast_in_dim3A_28 : vector<16xf32>
    %swap3A_159 = arith.constant 224 : index
    %swap3A_160 = tpu.vector_load %arg6[%swap3A_159] {strides = array<i32>} : memref<1024xf32, #tpu.memory_space<vmem>>, vector<16xf32>,
    %swap3A_161 = vector.shape_cast %swap3A_160 : vector<16xf32> to vector<16xf32>
    %swap3A_162 = vector.shape_cast %add3A_158 : vector<16xf32> to vector<16xf32>
    tpu.vector_store %arg6[%swap3A_159], %swap3A_162 {strides = array<i32>} : memref<1024xf32, #tpu.memory_space<vmem>>, vector<16xf32>,
    %get3A_163 = arith.constant 240 : index
    %get3A_164 = tpu.vector_load %arg6[%get3A_163] {strides = array<i32>} : memref<1024xf32, #tpu.memory_space<vmem>>, vector<16xf32>,
    %get3A_165 = vector.shape_cast %get3A_164 : vector<16xf32> to vector<16xf32>
    %mul3A_166 = arith.mulf %get3A_165, %broadcast_in_dim3A : vector<16xf32>
    %add3A_167 = arith.addf %mul3A_166, %broadcast_in_dim3A_28 : vector<16xf32>
    %swap3A_168 = arith.constant 240 : index
    %swap3A_169 = tpu.vector_load %arg6[%swap3A_168] {strides = array<i32>} : memref<1024xf32, #tpu.memory_space<vmem>>, vector<16xf32>,
    %swap3A_170 = vector.shape_cast %swap3A_169 : vector<16xf32> to vector<16xf32>
    %swap3A_171 = vector.shape_cast %add3A_167 : vector<16xf32> to vector<16xf32>
    tpu.vector_store %arg6[%swap3A_168], %swap3A_171 {strides = array<i32>} : memref<1024xf32, #tpu.memory_space<vmem>>, vector<16xf32>,
    %get3A_172 = arith.constant 256 : index
    %get3A_173 = tpu.vector_load %arg6[%get3A_172] {strides = array<i32>} : memref<1024xf32, #tpu.memory_space<vmem>>, vector<16xf32>,
    %get3A_174 = vector.shape_cast %get3A_173 : vector<16xf32> to vector<16xf32>
    %mul3A_175 = arith.mulf %get3A_174, %broadcast_in_dim3A : vector<16xf32>
    %add3A_176 = arith.addf %mul3A_175, %broadcast_in_dim3A_28 : vector<16xf32>
    %swap3A_177 = arith.constant 256 : index
    %swap3A_178 = tpu.vector_load %arg6[%swap3A_177] {strides = array<i32>} : memref<1024xf32, #tpu.memory_space<vmem>>, vector<16xf32>,
    %swap3A_179 = vector.shape_cast %swap3A_178 : vector<16xf32> to vector<16xf32>
    %swap3A_180 = vector.shape_cast %add3A_176 : vector<16xf32> to vector<16xf32>
    tpu.vector_store %arg6[%swap3A_177], %swap3A_180 {strides = array<i32>} : memref<1024xf32, #tpu.memory_space<vmem>>, vector<16xf32>,
    %get3A_181 = arith.constant 272 : index
    %get3A_182 = tpu.vector_load %arg6[%get3A_181] {strides = array<i32>} : memref<1024xf32, #tpu.memory_space<vmem>>, vector<16xf32>,
    %get3A_183 = vector.shape_cast %get3A_182 : vector<16xf32> to vector<16xf32>
    %mul3A_184 = arith.mulf %get3A_183, %broadcast_in_dim3A : vector<16xf32>
    %add3A_185 = arith.addf %mul3A_184, %broadcast_in_dim3A_28 : vector<16xf32>
    %swap3A_186 = arith.constant 272 : index
    %swap3A_187 = tpu.vector_load %arg6[%swap3A_186] {strides = array<i32>} : memref<1024xf32, #tpu.memory_space<vmem>>, vector<16xf32>,
    %swap3A_188 = vector.shape_cast %swap3A_187 : vector<16xf32> to vector<16xf32>
    %swap3A_189 = vector.shape_cast %add3A_185 : vector<16xf32> to vector<16xf32>
    tpu.vector_store %arg6[%swap3A_186], %swap3A_189 {strides = array<i32>} : memref<1024xf32, #tpu.memory_space<vmem>>, vector<16xf32>,
    %get3A_190 = arith.constant 288 : index
    %get3A_191 = tpu.vector_load %arg6[%get3A_190] {strides = array<i32>} : memref<1024xf32, #tpu.memory_space<vmem>>, vector<16xf32>,
    %get3A_192 = vector.shape_cast %get3A_191 : vector<16xf32> to vector<16xf32>
    %mul3A_193 = arith.mulf %get3A_192, %broadcast_in_dim3A : vector<16xf32>
    %add3A_194 = arith.addf %mul3A_193, %broadcast_in_dim3A_28 : vector<16xf32>
    %swap3A_195 = arith.constant 288 : index
    %swap3A_196 = tpu.vector_load %arg6[%swap3A_195] {strides = array<i32>} : memref<1024xf32, #tpu.memory_space<vmem>>, vector<16xf32>,
    %swap3A_197 = vector.shape_cast %swap3A_196 : vector<16xf32> to vector<16xf32>
    %swap3A_198 = vector.shape_cast %add3A_194 : vector<16xf32> to vector<16xf32>
    tpu.vector_store %arg6[%swap3A_195], %swap3A_198 {strides = array<i32>} : memref<1024xf32, #tpu.memory_space<vmem>>, vector<16xf32>,
    %get3A_199 = arith.constant 304 : index
    %get3A_200 = tpu.vector_load %arg6[%get3A_199] {strides = array<i32>} : memref<1024xf32, #tpu.memory_space<vmem>>, vector<16xf32>,
    %get3A_201 = vector.shape_cast %get3A_200 : vector<16xf32> to vector<16xf32>
    %mul3A_202 = arith.mulf %get3A_201, %broadcast_in_dim3A : vector<16xf32>
    %add3A_203 = arith.addf %mul3A_202, %broadcast_in_dim3A_28 : vector<16xf32>
    %swap3A_204 = arith.constant 304 : index
    %swap3A_205 = tpu.vector_load %arg6[%swap3A_204] {strides = array<i32>} : memref<1024xf32, #tpu.memory_space<vmem>>, vector<16xf32>,
    %swap3A_206 = vector.shape_cast %swap3A_205 : vector<16xf32> to vector<16xf32>
    %swap3A_207 = vector.shape_cast %add3A_203 : vector<16xf32> to vector<16xf32>
    tpu.vector_store %arg6[%swap3A_204], %swap3A_207 {strides = array<i32>} : memref<1024xf32, #tpu.memory_space<vmem>>, vector<16xf32>,
    %get3A_208 = arith.constant 320 : index
    %get3A_209 = tpu.vector_load %arg6[%get3A_208] {strides = array<i32>} : memref<1024xf32, #tpu.memory_space<vmem>>, vector<16xf32>,
    %get3A_210 = vector.shape_cast %get3A_209 : vector<16xf32> to vector<16xf32>
    %mul3A_211 = arith.mulf %get3A_210, %broadcast_in_dim3A : vector<16xf32>
    %add3A_212 = arith.addf %mul3A_211, %broadcast_in_dim3A_28 : vector<16xf32>
    %swap3A_213 = arith.constant 320 : index
    %swap3A_214 = tpu.vector_load %arg6[%swap3A_213] {strides = array<i32>} : memref<1024xf32, #tpu.memory_space<vmem>>, vector<16xf32>,
    %swap3A_215 = vector.shape_cast %swap3A_214 : vector<16xf32> to vector<16xf32>
    %swap3A_216 = vector.shape_cast %add3A_212 : vector<16xf32> to vector<16xf32>
    tpu.vector_store %arg6[%swap3A_213], %swap3A_216 {strides = array<i32>} : memref<1024xf32, #tpu.memory_space<vmem>>, vector<16xf32>,
    %get3A_217 = arith.constant 336 : index
    %get3A_218 = tpu.vector_load %arg6[%get3A_217] {strides = array<i32>} : memref<1024xf32, #tpu.memory_space<vmem>>, vector<16xf32>,
    %get3A_219 = vector.shape_cast %get3A_218 : vector<16xf32> to vector<16xf32>
    %mul3A_220 = arith.mulf %get3A_219, %broadcast_in_dim3A : vector<16xf32>
    %add3A_221 = arith.addf %mul3A_220, %broadcast_in_dim3A_28 : vector<16xf32>
    %swap3A_222 = arith.constant 336 : index
    %swap3A_223 = tpu.vector_load %arg6[%swap3A_222] {strides = array<i32>} : memref<1024xf32, #tpu.memory_space<vmem>>, vector<16xf32>,
    %swap3A_224 = vector.shape_cast %swap3A_223 : vector<16xf32> to vector<16xf32>
    %swap3A_225 = vector.shape_cast %add3A_221 : vector<16xf32> to vector<16xf32>
    tpu.vector_store %arg6[%swap3A_222], %swap3A_225 {strides = array<i32>} : memref<1024xf32, #tpu.memory_space<vmem>>, vector<16xf32>,
    %get3A_226 = arith.constant 352 : index
    %get3A_227 = tpu.vector_load %arg6[%get3A_226] {strides = array<i32>} : memref<1024xf32, #tpu.memory_space<vmem>>, vector<16xf32>,
    %get3A_228 = vector.shape_cast %get3A_227 : vector<16xf32> to vector<16xf32>
    %mul3A_229 = arith.mulf %get3A_228, %broadcast_in_dim3A : vector<16xf32>
    %add3A_230 = arith.addf %mul3A_229, %broadcast_in_dim3A_28 : vector<16xf32>
    %swap3A_231 = arith.constant 352 : index
    %swap3A_232 = tpu.vector_load %arg6[%swap3A_231] {strides = array<i32>} : memref<1024xf32, #tpu.memory_space<vmem>>, vector<16xf32>,
    %swap3A_233 = vector.shape_cast %swap3A_232 : vector<16xf32> to vector<16xf32>
    %swap3A_234 = vector.shape_cast %add3A_230 : vector<16xf32> to vector<16xf32>
    tpu.vector_store %arg6[%swap3A_231], %swap3A_234 {strides = array<i32>} : memref<1024xf32, #tpu.memory_space<vmem>>, vector<16xf32>,
    %get3A_235 = arith.constant 368 : index
    %get3A_236 = tpu.vector_load %arg6[%get3A_235] {strides = array<i32>} : memref<1024xf32, #tpu.memory_space<vmem>>, vector<16xf32>,
    %get3A_237 = vector.shape_cast %get3A_236 : vector<16xf32> to vector<16xf32>
    %mul3A_238 = arith.mulf %get3A_237, %broadcast_in_dim3A : vector<16xf32>
    %add3A_239 = arith.addf %mul3A_238, %broadcast_in_dim3A_28 : vector<16xf32>
    %swap3A_240 = arith.constant 368 : index
    %swap3A_241 = tpu.vector_load %arg6[%swap3A_240] {strides = array<i32>} : memref<1024xf32, #tpu.memory_space<vmem>>, vector<16xf32>,
    %swap3A_242 = vector.shape_cast %swap3A_241 : vector<16xf32> to vector<16xf32>
    %swap3A_243 = vector.shape_cast %add3A_239 : vector<16xf32> to vector<16xf32>
    tpu.vector_store %arg6[%swap3A_240], %swap3A_243 {strides = array<i32>} : memref<1024xf32, #tpu.memory_space<vmem>>, vector<16xf32>,
    %get3A_244 = arith.constant 384 : index
    %get3A_245 = tpu.vector_load %arg6[%get3A_244] {strides = array<i32>} : memref<1024xf32, #tpu.memory_space<vmem>>, vector<16xf32>,
    %get3A_246 = vector.shape_cast %get3A_245 : vector<16xf32> to vector<16xf32>
    %mul3A_247 = arith.mulf %get3A_246, %broadcast_in_dim3A : vector<16xf32>
    %add3A_248 = arith.addf %mul3A_247, %broadcast_in_dim3A_28 : vector<16xf32>
    %swap3A_249 = arith.constant 384 : index
    %swap3A_250 = tpu.vector_load %arg6[%swap3A_249] {strides = array<i32>} : memref<1024xf32, #tpu.memory_space<vmem>>, vector<16xf32>,
    %swap3A_251 = vector.shape_cast %swap3A_250 : vector<16xf32> to vector<16xf32>
    %swap3A_252 = vector.shape_cast %add3A_248 : vector<16xf32> to vector<16xf32>
    tpu.vector_store %arg6[%swap3A_249], %swap3A_252 {strides = array<i32>} : memref<1024xf32, #tpu.memory_space<vmem>>, vector<16xf32>,
    %get3A_253 = arith.constant 400 : index
    %get3A_254 = tpu.vector_load %arg6[%get3A_253] {strides = array<i32>} : memref<1024xf32, #tpu.memory_space<vmem>>, vector<16xf32>,
    %get3A_255 = vector.shape_cast %get3A_254 : vector<16xf32> to vector<16xf32>
    %mul3A_256 = arith.mulf %get3A_255, %broadcast_in_dim3A : vector<16xf32>
    %add3A_257 = arith.addf %mul3A_256, %broadcast_in_dim3A_28 : vector<16xf32>
    %swap3A_258 = arith.constant 400 : index
    %swap3A_259 = tpu.vector_load %arg6[%swap3A_258] {strides = array<i32>} : memref<1024xf32, #tpu.memory_space<vmem>>, vector<16xf32>,
    %swap3A_260 = vector.shape_cast %swap3A_259 : vector<16xf32> to vector<16xf32>
    %swap3A_261 = vector.shape_cast %add3A_257 : vector<16xf32> to vector<16xf32>
    tpu.vector_store %arg6[%swap3A_258], %swap3A_261 {strides = array<i32>} : memref<1024xf32, #tpu.memory_space<vmem>>, vector<16xf32>,
    %get3A_262 = arith.constant 416 : index
    %get3A_263 = tpu.vector_load %arg6[%get3A_262] {strides = array<i32>} : memref<1024xf32, #tpu.memory_space<vmem>>, vector<16xf32>,
    %get3A_264 = vector.shape_cast %get3A_263 : vector<16xf32> to vector<16xf32>
    %mul3A_265 = arith.mulf %get3A_264, %broadcast_in_dim3A : vector<16xf32>
    %add3A_266 = arith.addf %mul3A_265, %broadcast_in_dim3A_28 : vector<16xf32>
    %swap3A_267 = arith.constant 416 : index
    %swap3A_268 = tpu.vector_load %arg6[%swap3A_267] {strides = array<i32>} : memref<1024xf32, #tpu.memory_space<vmem>>, vector<16xf32>,
    %swap3A_269 = vector.shape_cast %swap3A_268 : vector<16xf32> to vector<16xf32>
    %swap3A_270 = vector.shape_cast %add3A_266 : vector<16xf32> to vector<16xf32>
    tpu.vector_store %arg6[%swap3A_267], %swap3A_270 {strides = array<i32>} : memref<1024xf32, #tpu.memory_space<vmem>>, vector<16xf32>,
    %get3A_271 = arith.constant 432 : index
    %get3A_272 = tpu.vector_load %arg6[%get3A_271] {strides = array<i32>} : memref<1024xf32, #tpu.memory_space<vmem>>, vector<16xf32>,
    %get3A_273 = vector.shape_cast %get3A_272 : vector<16xf32> to vector<16xf32>
    %mul3A_274 = arith.mulf %get3A_273, %broadcast_in_dim3A : vector<16xf32>
    %add3A_275 = arith.addf %mul3A_274, %broadcast_in_dim3A_28 : vector<16xf32>
    %swap3A_276 = arith.constant 432 : index
    %swap3A_277 = tpu.vector_load %arg6[%swap3A_276] {strides = array<i32>} : memref<1024xf32, #tpu.memory_space<vmem>>, vector<16xf32>,
    %swap3A_278 = vector.shape_cast %swap3A_277 : vector<16xf32> to vector<16xf32>
    %swap3A_279 = vector.shape_cast %add3A_275 : vector<16xf32> to vector<16xf32>
    tpu.vector_store %arg6[%swap3A_276], %swap3A_279 {strides = array<i32>} : memref<1024xf32, #tpu.memory_space<vmem>>, vector<16xf32>,
    %get3A_280 = arith.constant 448 : index
    %get3A_281 = tpu.vector_load %arg6[%get3A_280] {strides = array<i32>} : memref<1024xf32, #tpu.memory_space<vmem>>, vector<16xf32>,
    %get3A_282 = vector.shape_cast %get3A_281 : vector<16xf32> to vector<16xf32>
    %mul3A_283 = arith.mulf %get3A_282, %broadcast_in_dim3A : vector<16xf32>
    %add3A_284 = arith.addf %mul3A_283, %broadcast_in_dim3A_28 : vector<16xf32>
    %swap3A_285 = arith.constant 448 : index
    %swap3A_286 = tpu.vector_load %arg6[%swap3A_285] {strides = array<i32>} : memref<1024xf32, #tpu.memory_space<vmem>>, vector<16xf32>,
    %swap3A_287 = vector.shape_cast %swap3A_286 : vector<16xf32> to vector<16xf32>
    %swap3A_288 = vector.shape_cast %add3A_284 : vector<16xf32> to vector<16xf32>
    tpu.vector_store %arg6[%swap3A_285], %swap3A_288 {strides = array<i32>} : memref<1024xf32, #tpu.memory_space<vmem>>, vector<16xf32>,
    %get3A_289 = arith.constant 464 : index
    %get3A_290 = tpu.vector_load %arg6[%get3A_289] {strides = array<i32>} : memref<1024xf32, #tpu.memory_space<vmem>>, vector<16xf32>,
    %get3A_291 = vector.shape_cast %get3A_290 : vector<16xf32> to vector<16xf32>
    %mul3A_292 = arith.mulf %get3A_291, %broadcast_in_dim3A : vector<16xf32>
    %add3A_293 = arith.addf %mul3A_292, %broadcast_in_dim3A_28 : vector<16xf32>
    %swap3A_294 = arith.constant 464 : index
    %swap3A_295 = tpu.vector_load %arg6[%swap3A_294] {strides = array<i32>} : memref<1024xf32, #tpu.memory_space<vmem>>, vector<16xf32>,
    %swap3A_296 = vector.shape_cast %swap3A_295 : vector<16xf32> to vector<16xf32>
    %swap3A_297 = vector.shape_cast %add3A_293 : vector<16xf32> to vector<16xf32>
    tpu.vector_store %arg6[%swap3A_294], %swap3A_297 {strides = array<i32>} : memref<1024xf32, #tpu.memory_space<vmem>>, vector<16xf32>,
    %get3A_298 = arith.constant 480 : index
    %get3A_299 = tpu.vector_load %arg6[%get3A_298] {strides = array<i32>} : memref<1024xf32, #tpu.memory_space<vmem>>, vector<16xf32>,
    %get3A_300 = vector.shape_cast %get3A_299 : vector<16xf32> to vector<16xf32>
    %mul3A_301 = arith.mulf %get3A_300, %broadcast_in_dim3A : vector<16xf32>
    %add3A_302 = arith.addf %mul3A_301, %broadcast_in_dim3A_28 : vector<16xf32>
    %swap3A_303 = arith.constant 480 : index
    %swap3A_304 = tpu.vector_load %arg6[%swap3A_303] {strides = array<i32>} : memref<1024xf32, #tpu.memory_space<vmem>>, vector<16xf32>,
    %swap3A_305 = vector.shape_cast %swap3A_304 : vector<16xf32> to vector<16xf32>
    %swap3A_306 = vector.shape_cast %add3A_302 : vector<16xf32> to vector<16xf32>
    tpu.vector_store %arg6[%swap3A_303], %swap3A_306 {strides = array<i32>} : memref<1024xf32, #tpu.memory_space<vmem>>, vector<16xf32>,
    %get3A_307 = arith.constant 496 : index
    %get3A_308 = tpu.vector_load %arg6[%get3A_307] {strides = array<i32>} : memref<1024xf32, #tpu.memory_space<vmem>>, vector<16xf32>,
    %get3A_309 = vector.shape_cast %get3A_308 : vector<16xf32> to vector<16xf32>
    %mul3A_310 = arith.mulf %get3A_309, %broadcast_in_dim3A : vector<16xf32>
    %add3A_311 = arith.addf %mul3A_310, %broadcast_in_dim3A_28 : vector<16xf32>
    %swap3A_312 = arith.constant 496 : index
    %swap3A_313 = tpu.vector_load %arg6[%swap3A_312] {strides = array<i32>} : memref<1024xf32, #tpu.memory_space<vmem>>, vector<16xf32>,
    %swap3A_314 = vector.shape_cast %swap3A_313 : vector<16xf32> to vector<16xf32>
    %swap3A_315 = vector.shape_cast %add3A_311 : vector<16xf32> to vector<16xf32>
    tpu.vector_store %arg6[%swap3A_312], %swap3A_315 {strides = array<i32>} : memref<1024xf32, #tpu.memory_space<vmem>>, vector<16xf32>,
    %get3A_316 = arith.constant 512 : index
    %get3A_317 = tpu.vector_load %arg6[%get3A_316] {strides = array<i32>} : memref<1024xf32, #tpu.memory_space<vmem>>, vector<16xf32>,
    %get3A_318 = vector.shape_cast %get3A_317 : vector<16xf32> to vector<16xf32>
    %mul3A_319 = arith.mulf %get3A_318, %broadcast_in_dim3A : vector<16xf32>
    %add3A_320 = arith.addf %mul3A_319, %broadcast_in_dim3A_28 : vector<16xf32>
    %swap3A_321 = arith.constant 512 : index
    %swap3A_322 = tpu.vector_load %arg6[%swap3A_321] {strides = array<i32>} : memref<1024xf32, #tpu.memory_space<vmem>>, vector<16xf32>,
    %swap3A_323 = vector.shape_cast %swap3A_322 : vector<16xf32> to vector<16xf32>
    %swap3A_324 = vector.shape_cast %add3A_320 : vector<16xf32> to vector<16xf32>
    tpu.vector_store %arg6[%swap3A_321], %swap3A_324 {strides = array<i32>} : memref<1024xf32, #tpu.memory_space<vmem>>, vector<16xf32>,
    %get3A_325 = arith.constant 528 : index
    %get3A_326 = tpu.vector_load %arg6[%get3A_325] {strides = array<i32>} : memref<1024xf32, #tpu.memory_space<vmem>>, vector<16xf32>,
    %get3A_327 = vector.shape_cast %get3A_326 : vector<16xf32> to vector<16xf32>
    %mul3A_328 = arith.mulf %get3A_327, %broadcast_in_dim3A : vector<16xf32>
    %add3A_329 = arith.addf %mul3A_328, %broadcast_in_dim3A_28 : vector<16xf32>
    %swap3A_330 = arith.constant 528 : index
    %swap3A_331 = tpu.vector_load %arg6[%swap3A_330] {strides = array<i32>} : memref<1024xf32, #tpu.memory_space<vmem>>, vector<16xf32>,
    %swap3A_332 = vector.shape_cast %swap3A_331 : vector<16xf32> to vector<16xf32>
    %swap3A_333 = vector.shape_cast %add3A_329 : vector<16xf32> to vector<16xf32>
    tpu.vector_store %arg6[%swap3A_330], %swap3A_333 {strides = array<i32>} : memref<1024xf32, #tpu.memory_space<vmem>>, vector<16xf32>,
    %get3A_334 = arith.constant 544 : index
    %get3A_335 = tpu.vector_load %arg6[%get3A_334] {strides = array<i32>} : memref<1024xf32, #tpu.memory_space<vmem>>, vector<16xf32>,
    %get3A_336 = vector.shape_cast %get3A_335 : vector<16xf32> to vector<16xf32>
    %mul3A_337 = arith.mulf %get3A_336, %broadcast_in_dim3A : vector<16xf32>
    %add3A_338 = arith.addf %mul3A_337, %broadcast_in_dim3A_28 : vector<16xf32>
    %swap3A_339 = arith.constant 544 : index
    %swap3A_340 = tpu.vector_load %arg6[%swap3A_339] {strides = array<i32>} : memref<1024xf32, #tpu.memory_space<vmem>>, vector<16xf32>,
    %swap3A_341 = vector.shape_cast %swap3A_340 : vector<16xf32> to vector<16xf32>
    %swap3A_342 = vector.shape_cast %add3A_338 : vector<16xf32> to vector<16xf32>
    tpu.vector_store %arg6[%swap3A_339], %swap3A_342 {strides = array<i32>} : memref<1024xf32, #tpu.memory_space<vmem>>, vector<16xf32>,
    %get3A_343 = arith.constant 560 : index
    %get3A_344 = tpu.vector_load %arg6[%get3A_343] {strides = array<i32>} : memref<1024xf32, #tpu.memory_space<vmem>>, vector<16xf32>,
    %get3A_345 = vector.shape_cast %get3A_344 : vector<16xf32> to vector<16xf32>
    %mul3A_346 = arith.mulf %get3A_345, %broadcast_in_dim3A : vector<16xf32>
    %add3A_347 = arith.addf %mul3A_346, %broadcast_in_dim3A_28 : vector<16xf32>
    %swap3A_348 = arith.constant 560 : index
    %swap3A_349 = tpu.vector_load %arg6[%swap3A_348] {strides = array<i32>} : memref<1024xf32, #tpu.memory_space<vmem>>, vector<16xf32>,
    %swap3A_350 = vector.shape_cast %swap3A_349 : vector<16xf32> to vector<16xf32>
    %swap3A_351 = vector.shape_cast %add3A_347 : vector<16xf32> to vector<16xf32>
    tpu.vector_store %arg6[%swap3A_348], %swap3A_351 {strides = array<i32>} : memref<1024xf32, #tpu.memory_space<vmem>>, vector<16xf32>,
    %get3A_352 = arith.constant 576 : index
    %get3A_353 = tpu.vector_load %arg6[%get3A_352] {strides = array<i32>} : memref<1024xf32, #tpu.memory_space<vmem>>, vector<16xf32>,
    %get3A_354 = vector.shape_cast %get3A_353 : vector<16xf32> to vector<16xf32>
    %mul3A_355 = arith.mulf %get3A_354, %broadcast_in_dim3A : vector<16xf32>
    %add3A_356 = arith.addf %mul3A_355, %broadcast_in_dim3A_28 : vector<16xf32>
    %swap3A_357 = arith.constant 576 : index
    %swap3A_358 = tpu.vector_load %arg6[%swap3A_357] {strides = array<i32>} : memref<1024xf32, #tpu.memory_space<vmem>>, vector<16xf32>,
    %swap3A_359 = vector.shape_cast %swap3A_358 : vector<16xf32> to vector<16xf32>
    %swap3A_360 = vector.shape_cast %add3A_356 : vector<16xf32> to vector<16xf32>
    tpu.vector_store %arg6[%swap3A_357], %swap3A_360 {strides = array<i32>} : memref<1024xf32, #tpu.memory_space<vmem>>, vector<16xf32>,
    %get3A_361 = arith.constant 592 : index
    %get3A_362 = tpu.vector_load %arg6[%get3A_361] {strides = array<i32>} : memref<1024xf32, #tpu.memory_space<vmem>>, vector<16xf32>,
    %get3A_363 = vector.shape_cast %get3A_362 : vector<16xf32> to vector<16xf32>
    %mul3A_364 = arith.mulf %get3A_363, %broadcast_in_dim3A : vector<16xf32>
    %add3A_365 = arith.addf %mul3A_364, %broadcast_in_dim3A_28 : vector<16xf32>
    %swap3A_366 = arith.constant 592 : index
    %swap3A_367 = tpu.vector_load %arg6[%swap3A_366] {strides = array<i32>} : memref<1024xf32, #tpu.memory_space<vmem>>, vector<16xf32>,
    %swap3A_368 = vector.shape_cast %swap3A_367 : vector<16xf32> to vector<16xf32>
    %swap3A_369 = vector.shape_cast %add3A_365 : vector<16xf32> to vector<16xf32>
    tpu.vector_store %arg6[%swap3A_366], %swap3A_369 {strides = array<i32>} : memref<1024xf32, #tpu.memory_space<vmem>>, vector<16xf32>,
    %get3A_370 = arith.constant 608 : index
    %get3A_371 = tpu.vector_load %arg6[%get3A_370] {strides = array<i32>} : memref<1024xf32, #tpu.memory_space<vmem>>, vector<16xf32>,
    %get3A_372 = vector.shape_cast %get3A_371 : vector<16xf32> to vector<16xf32>
    %mul3A_373 = arith.mulf %get3A_372, %broadcast_in_dim3A : vector<16xf32>
    %add3A_374 = arith.addf %mul3A_373, %broadcast_in_dim3A_28 : vector<16xf32>
    %swap3A_375 = arith.constant 608 : index
    %swap3A_376 = tpu.vector_load %arg6[%swap3A_375] {strides = array<i32>} : memref<1024xf32, #tpu.memory_space<vmem>>, vector<16xf32>,
    %swap3A_377 = vector.shape_cast %swap3A_376 : vector<16xf32> to vector<16xf32>
    %swap3A_378 = vector.shape_cast %add3A_374 : vector<16xf32> to vector<16xf32>
    tpu.vector_store %arg6[%swap3A_375], %swap3A_378 {strides = array<i32>} : memref<1024xf32, #tpu.memory_space<vmem>>, vector<16xf32>,
    %get3A_379 = arith.constant 624 : index
    %get3A_380 = tpu.vector_load %arg6[%get3A_379] {strides = array<i32>} : memref<1024xf32, #tpu.memory_space<vmem>>, vector<16xf32>,
    %get3A_381 = vector.shape_cast %get3A_380 : vector<16xf32> to vector<16xf32>
    %mul3A_382 = arith.mulf %get3A_381, %broadcast_in_dim3A : vector<16xf32>
    %add3A_383 = arith.addf %mul3A_382, %broadcast_in_dim3A_28 : vector<16xf32>
    %swap3A_384 = arith.constant 624 : index
    %swap3A_385 = tpu.vector_load %arg6[%swap3A_384] {strides = array<i32>} : memref<1024xf32, #tpu.memory_space<vmem>>, vector<16xf32>,
    %swap3A_386 = vector.shape_cast %swap3A_385 : vector<16xf32> to vector<16xf32>
    %swap3A_387 = vector.shape_cast %add3A_383 : vector<16xf32> to vector<16xf32>
    tpu.vector_store %arg6[%swap3A_384], %swap3A_387 {strides = array<i32>} : memref<1024xf32, #tpu.memory_space<vmem>>, vector<16xf32>,
    %get3A_388 = arith.constant 640 : index
    %get3A_389 = tpu.vector_load %arg6[%get3A_388] {strides = array<i32>} : memref<1024xf32, #tpu.memory_space<vmem>>, vector<16xf32>,
    %get3A_390 = vector.shape_cast %get3A_389 : vector<16xf32> to vector<16xf32>
    %mul3A_391 = arith.mulf %get3A_390, %broadcast_in_dim3A : vector<16xf32>
    %add3A_392 = arith.addf %mul3A_391, %broadcast_in_dim3A_28 : vector<16xf32>
    %swap3A_393 = arith.constant 640 : index
    %swap3A_394 = tpu.vector_load %arg6[%swap3A_393] {strides = array<i32>} : memref<1024xf32, #tpu.memory_space<vmem>>, vector<16xf32>,
    %swap3A_395 = vector.shape_cast %swap3A_394 : vector<16xf32> to vector<16xf32>
    %swap3A_396 = vector.shape_cast %add3A_392 : vector<16xf32> to vector<16xf32>
    tpu.vector_store %arg6[%swap3A_393], %swap3A_396 {strides = array<i32>} : memref<1024xf32, #tpu.memory_space<vmem>>, vector<16xf32>,
    %get3A_397 = arith.constant 656 : index
    %get3A_398 = tpu.vector_load %arg6[%get3A_397] {strides = array<i32>} : memref<1024xf32, #tpu.memory_space<vmem>>, vector<16xf32>,
    %get3A_399 = vector.shape_cast %get3A_398 : vector<16xf32> to vector<16xf32>
    %mul3A_400 = arith.mulf %get3A_399, %broadcast_in_dim3A : vector<16xf32>
    %add3A_401 = arith.addf %mul3A_400, %broadcast_in_dim3A_28 : vector<16xf32>
    %swap3A_402 = arith.constant 656 : index
    %swap3A_403 = tpu.vector_load %arg6[%swap3A_402] {strides = array<i32>} : memref<1024xf32, #tpu.memory_space<vmem>>, vector<16xf32>,
    %swap3A_404 = vector.shape_cast %swap3A_403 : vector<16xf32> to vector<16xf32>
    %swap3A_405 = vector.shape_cast %add3A_401 : vector<16xf32> to vector<16xf32>
    tpu.vector_store %arg6[%swap3A_402], %swap3A_405 {strides = array<i32>} : memref<1024xf32, #tpu.memory_space<vmem>>, vector<16xf32>,
    %get3A_406 = arith.constant 672 : index
    %get3A_407 = tpu.vector_load %arg6[%get3A_406] {strides = array<i32>} : memref<1024xf32, #tpu.memory_space<vmem>>, vector<16xf32>,
    %get3A_408 = vector.shape_cast %get3A_407 : vector<16xf32> to vector<16xf32>
    %mul3A_409 = arith.mulf %get3A_408, %broadcast_in_dim3A : vector<16xf32>
    %add3A_410 = arith.addf %mul3A_409, %broadcast_in_dim3A_28 : vector<16xf32>
    %swap3A_411 = arith.constant 672 : index
    %swap3A_412 = tpu.vector_load %arg6[%swap3A_411] {strides = array<i32>} : memref<1024xf32, #tpu.memory_space<vmem>>, vector<16xf32>,
    %swap3A_413 = vector.shape_cast %swap3A_412 : vector<16xf32> to vector<16xf32>
    %swap3A_414 = vector.shape_cast %add3A_410 : vector<16xf32> to vector<16xf32>
    tpu.vector_store %arg6[%swap3A_411], %swap3A_414 {strides = array<i32>} : memref<1024xf32, #tpu.memory_space<vmem>>, vector<16xf32>,
    %get3A_415 = arith.constant 688 : index
    %get3A_416 = tpu.vector_load %arg6[%get3A_415] {strides = array<i32>} : memref<1024xf32, #tpu.memory_space<vmem>>, vector<16xf32>,
    %get3A_417 = vector.shape_cast %get3A_416 : vector<16xf32> to vector<16xf32>
    %mul3A_418 = arith.mulf %get3A_417, %broadcast_in_dim3A : vector<16xf32>
    %add3A_419 = arith.addf %mul3A_418, %broadcast_in_dim3A_28 : vector<16xf32>
    %swap3A_420 = arith.constant 688 : index
    %swap3A_421 = tpu.vector_load %arg6[%swap3A_420] {strides = array<i32>} : memref<1024xf32, #tpu.memory_space<vmem>>, vector<16xf32>,
    %swap3A_422 = vector.shape_cast %swap3A_421 : vector<16xf32> to vector<16xf32>
    %swap3A_423 = vector.shape_cast %add3A_419 : vector<16xf32> to vector<16xf32>
    tpu.vector_store %arg6[%swap3A_420], %swap3A_423 {strides = array<i32>} : memref<1024xf32, #tpu.memory_space<vmem>>, vector<16xf32>,
    %get3A_424 = arith.constant 704 : index
    %get3A_425 = tpu.vector_load %arg6[%get3A_424] {strides = array<i32>} : memref<1024xf32, #tpu.memory_space<vmem>>, vector<16xf32>,
    %get3A_426 = vector.shape_cast %get3A_425 : vector<16xf32> to vector<16xf32>
    %mul3A_427 = arith.mulf %get3A_426, %broadcast_in_dim3A : vector<16xf32>
    %add3A_428 = arith.addf %mul3A_427, %broadcast_in_dim3A_28 : vector<16xf32>
    %swap3A_429 = arith.constant 704 : index
    %swap3A_430 = tpu.vector_load %arg6[%swap3A_429] {strides = array<i32>} : memref<1024xf32, #tpu.memory_space<vmem>>, vector<16xf32>,
    %swap3A_431 = vector.shape_cast %swap3A_430 : vector<16xf32> to vector<16xf32>
    %swap3A_432 = vector.shape_cast %add3A_428 : vector<16xf32> to vector<16xf32>
    tpu.vector_store %arg6[%swap3A_429], %swap3A_432 {strides = array<i32>} : memref<1024xf32, #tpu.memory_space<vmem>>, vector<16xf32>,
    %get3A_433 = arith.constant 720 : index
    %get3A_434 = tpu.vector_load %arg6[%get3A_433] {strides = array<i32>} : memref<1024xf32, #tpu.memory_space<vmem>>, vector<16xf32>,
    %get3A_435 = vector.shape_cast %get3A_434 : vector<16xf32> to vector<16xf32>
    %mul3A_436 = arith.mulf %get3A_435, %broadcast_in_dim3A : vector<16xf32>
    %add3A_437 = arith.addf %mul3A_436, %broadcast_in_dim3A_28 : vector<16xf32>
    %swap3A_438 = arith.constant 720 : index
    %swap3A_439 = tpu.vector_load %arg6[%swap3A_438] {strides = array<i32>} : memref<1024xf32, #tpu.memory_space<vmem>>, vector<16xf32>,
    %swap3A_440 = vector.shape_cast %swap3A_439 : vector<16xf32> to vector<16xf32>
    %swap3A_441 = vector.shape_cast %add3A_437 : vector<16xf32> to vector<16xf32>
    tpu.vector_store %arg6[%swap3A_438], %swap3A_441 {strides = array<i32>} : memref<1024xf32, #tpu.memory_space<vmem>>, vector<16xf32>,
    %get3A_442 = arith.constant 736 : index
    %get3A_443 = tpu.vector_load %arg6[%get3A_442] {strides = array<i32>} : memref<1024xf32, #tpu.memory_space<vmem>>, vector<16xf32>,
    %get3A_444 = vector.shape_cast %get3A_443 : vector<16xf32> to vector<16xf32>
    %mul3A_445 = arith.mulf %get3A_444, %broadcast_in_dim3A : vector<16xf32>
    %add3A_446 = arith.addf %mul3A_445, %broadcast_in_dim3A_28 : vector<16xf32>
    %swap3A_447 = arith.constant 736 : index
    %swap3A_448 = tpu.vector_load %arg6[%swap3A_447] {strides = array<i32>} : memref<1024xf32, #tpu.memory_space<vmem>>, vector<16xf32>,
    %swap3A_449 = vector.shape_cast %swap3A_448 : vector<16xf32> to vector<16xf32>
    %swap3A_450 = vector.shape_cast %add3A_446 : vector<16xf32> to vector<16xf32>
    tpu.vector_store %arg6[%swap3A_447], %swap3A_450 {strides = array<i32>} : memref<1024xf32, #tpu.memory_space<vmem>>, vector<16xf32>,
    %get3A_451 = arith.constant 752 : index
    %get3A_452 = tpu.vector_load %arg6[%get3A_451] {strides = array<i32>} : memref<1024xf32, #tpu.memory_space<vmem>>, vector<16xf32>,
    %get3A_453 = vector.shape_cast %get3A_452 : vector<16xf32> to vector<16xf32>
    %mul3A_454 = arith.mulf %get3A_453, %broadcast_in_dim3A : vector<16xf32>
    %add3A_455 = arith.addf %mul3A_454, %broadcast_in_dim3A_28 : vector<16xf32>
    %swap3A_456 = arith.constant 752 : index
    %swap3A_457 = tpu.vector_load %arg6[%swap3A_456] {strides = array<i32>} : memref<1024xf32, #tpu.memory_space<vmem>>, vector<16xf32>,
    %swap3A_458 = vector.shape_cast %swap3A_457 : vector<16xf32> to vector<16xf32>
    %swap3A_459 = vector.shape_cast %add3A_455 : vector<16xf32> to vector<16xf32>
    tpu.vector_store %arg6[%swap3A_456], %swap3A_459 {strides = array<i32>} : memref<1024xf32, #tpu.memory_space<vmem>>, vector<16xf32>,
    %get3A_460 = arith.constant 768 : index
    %get3A_461 = tpu.vector_load %arg6[%get3A_460] {strides = array<i32>} : memref<1024xf32, #tpu.memory_space<vmem>>, vector<16xf32>,
    %get3A_462 = vector.shape_cast %get3A_461 : vector<16xf32> to vector<16xf32>
    %mul3A_463 = arith.mulf %get3A_462, %broadcast_in_dim3A : vector<16xf32>
    %add3A_464 = arith.addf %mul3A_463, %broadcast_in_dim3A_28 : vector<16xf32>
    %swap3A_465 = arith.constant 768 : index
    %swap3A_466 = tpu.vector_load %arg6[%swap3A_465] {strides = array<i32>} : memref<1024xf32, #tpu.memory_space<vmem>>, vector<16xf32>,
    %swap3A_467 = vector.shape_cast %swap3A_466 : vector<16xf32> to vector<16xf32>
    %swap3A_468 = vector.shape_cast %add3A_464 : vector<16xf32> to vector<16xf32>
    tpu.vector_store %arg6[%swap3A_465], %swap3A_468 {strides = array<i32>} : memref<1024xf32, #tpu.memory_space<vmem>>, vector<16xf32>,
    %get3A_469 = arith.constant 784 : index
    %get3A_470 = tpu.vector_load %arg6[%get3A_469] {strides = array<i32>} : memref<1024xf32, #tpu.memory_space<vmem>>, vector<16xf32>,
    %get3A_471 = vector.shape_cast %get3A_470 : vector<16xf32> to vector<16xf32>
    %mul3A_472 = arith.mulf %get3A_471, %broadcast_in_dim3A : vector<16xf32>
    %add3A_473 = arith.addf %mul3A_472, %broadcast_in_dim3A_28 : vector<16xf32>
    %swap3A_474 = arith.constant 784 : index
    %swap3A_475 = tpu.vector_load %arg6[%swap3A_474] {strides = array<i32>} : memref<1024xf32, #tpu.memory_space<vmem>>, vector<16xf32>,
    %swap3A_476 = vector.shape_cast %swap3A_475 : vector<16xf32> to vector<16xf32>
    %swap3A_477 = vector.shape_cast %add3A_473 : vector<16xf32> to vector<16xf32>
    tpu.vector_store %arg6[%swap3A_474], %swap3A_477 {strides = array<i32>} : memref<1024xf32, #tpu.memory_space<vmem>>, vector<16xf32>,
    %get3A_478 = arith.constant 800 : index
    %get3A_479 = tpu.vector_load %arg6[%get3A_478] {strides = array<i32>} : memref<1024xf32, #tpu.memory_space<vmem>>, vector<16xf32>,
    %get3A_480 = vector.shape_cast %get3A_479 : vector<16xf32> to vector<16xf32>
    %mul3A_481 = arith.mulf %get3A_480, %broadcast_in_dim3A : vector<16xf32>
    %add3A_482 = arith.addf %mul3A_481, %broadcast_in_dim3A_28 : vector<16xf32>
    %swap3A_483 = arith.constant 800 : index
    %swap3A_484 = tpu.vector_load %arg6[%swap3A_483] {strides = array<i32>} : memref<1024xf32, #tpu.memory_space<vmem>>, vector<16xf32>,
    %swap3A_485 = vector.shape_cast %swap3A_484 : vector<16xf32> to vector<16xf32>
    %swap3A_486 = vector.shape_cast %add3A_482 : vector<16xf32> to vector<16xf32>
    tpu.vector_store %arg6[%swap3A_483], %swap3A_486 {strides = array<i32>} : memref<1024xf32, #tpu.memory_space<vmem>>, vector<16xf32>,
    %get3A_487 = arith.constant 816 : index
    %get3A_488 = tpu.vector_load %arg6[%get3A_487] {strides = array<i32>} : memref<1024xf32, #tpu.memory_space<vmem>>, vector<16xf32>,
    %get3A_489 = vector.shape_cast %get3A_488 : vector<16xf32> to vector<16xf32>
    %mul3A_490 = arith.mulf %get3A_489, %broadcast_in_dim3A : vector<16xf32>
    %add3A_491 = arith.addf %mul3A_490, %broadcast_in_dim3A_28 : vector<16xf32>
    %swap3A_492 = arith.constant 816 : index
    %swap3A_493 = tpu.vector_load %arg6[%swap3A_492] {strides = array<i32>} : memref<1024xf32, #tpu.memory_space<vmem>>, vector<16xf32>,
    %swap3A_494 = vector.shape_cast %swap3A_493 : vector<16xf32> to vector<16xf32>
    %swap3A_495 = vector.shape_cast %add3A_491 : vector<16xf32> to vector<16xf32>
    tpu.vector_store %arg6[%swap3A_492], %swap3A_495 {strides = array<i32>} : memref<1024xf32, #tpu.memory_space<vmem>>, vector<16xf32>,
    %get3A_496 = arith.constant 832 : index
    %get3A_497 = tpu.vector_load %arg6[%get3A_496] {strides = array<i32>} : memref<1024xf32, #tpu.memory_space<vmem>>, vector<16xf32>,
    %get3A_498 = vector.shape_cast %get3A_497 : vector<16xf32> to vector<16xf32>
    %mul3A_499 = arith.mulf %get3A_498, %broadcast_in_dim3A : vector<16xf32>
    %add3A_500 = arith.addf %mul3A_499, %broadcast_in_dim3A_28 : vector<16xf32>
    %swap3A_501 = arith.constant 832 : index
    %swap3A_502 = tpu.vector_load %arg6[%swap3A_501] {strides = array<i32>} : memref<1024xf32, #tpu.memory_space<vmem>>, vector<16xf32>,
    %swap3A_503 = vector.shape_cast %swap3A_502 : vector<16xf32> to vector<16xf32>
    %swap3A_504 = vector.shape_cast %add3A_500 : vector<16xf32> to vector<16xf32>
    tpu.vector_store %arg6[%swap3A_501], %swap3A_504 {strides = array<i32>} : memref<1024xf32, #tpu.memory_space<vmem>>, vector<16xf32>,
    %get3A_505 = arith.constant 848 : index
    %get3A_506 = tpu.vector_load %arg6[%get3A_505] {strides = array<i32>} : memref<1024xf32, #tpu.memory_space<vmem>>, vector<16xf32>,
    %get3A_507 = vector.shape_cast %get3A_506 : vector<16xf32> to vector<16xf32>
    %mul3A_508 = arith.mulf %get3A_507, %broadcast_in_dim3A : vector<16xf32>
    %add3A_509 = arith.addf %mul3A_508, %broadcast_in_dim3A_28 : vector<16xf32>
    %swap3A_510 = arith.constant 848 : index
    %swap3A_511 = tpu.vector_load %arg6[%swap3A_510] {strides = array<i32>} : memref<1024xf32, #tpu.memory_space<vmem>>, vector<16xf32>,
    %swap3A_512 = vector.shape_cast %swap3A_511 : vector<16xf32> to vector<16xf32>
    %swap3A_513 = vector.shape_cast %add3A_509 : vector<16xf32> to vector<16xf32>
    tpu.vector_store %arg6[%swap3A_510], %swap3A_513 {strides = array<i32>} : memref<1024xf32, #tpu.memory_space<vmem>>, vector<16xf32>,
    %get3A_514 = arith.constant 864 : index
    %get3A_515 = tpu.vector_load %arg6[%get3A_514] {strides = array<i32>} : memref<1024xf32, #tpu.memory_space<vmem>>, vector<16xf32>,
    %get3A_516 = vector.shape_cast %get3A_515 : vector<16xf32> to vector<16xf32>
    %mul3A_517 = arith.mulf %get3A_516, %broadcast_in_dim3A : vector<16xf32>
    %add3A_518 = arith.addf %mul3A_517, %broadcast_in_dim3A_28 : vector<16xf32>
    %swap3A_519 = arith.constant 864 : index
    %swap3A_520 = tpu.vector_load %arg6[%swap3A_519] {strides = array<i32>} : memref<1024xf32, #tpu.memory_space<vmem>>, vector<16xf32>,
    %swap3A_521 = vector.shape_cast %swap3A_520 : vector<16xf32> to vector<16xf32>
    %swap3A_522 = vector.shape_cast %add3A_518 : vector<16xf32> to vector<16xf32>
    tpu.vector_store %arg6[%swap3A_519], %swap3A_522 {strides = array<i32>} : memref<1024xf32, #tpu.memory_space<vmem>>, vector<16xf32>,
    %get3A_523 = arith.constant 880 : index
    %get3A_524 = tpu.vector_load %arg6[%get3A_523] {strides = array<i32>} : memref<1024xf32, #tpu.memory_space<vmem>>, vector<16xf32>,
    %get3A_525 = vector.shape_cast %get3A_524 : vector<16xf32> to vector<16xf32>
    %mul3A_526 = arith.mulf %get3A_525, %broadcast_in_dim3A : vector<16xf32>
    %add3A_527 = arith.addf %mul3A_526, %broadcast_in_dim3A_28 : vector<16xf32>
    %swap3A_528 = arith.constant 880 : index
    %swap3A_529 = tpu.vector_load %arg6[%swap3A_528] {strides = array<i32>} : memref<1024xf32, #tpu.memory_space<vmem>>, vector<16xf32>,
    %swap3A_530 = vector.shape_cast %swap3A_529 : vector<16xf32> to vector<16xf32>
    %swap3A_531 = vector.shape_cast %add3A_527 : vector<16xf32> to vector<16xf32>
    tpu.vector_store %arg6[%swap3A_528], %swap3A_531 {strides = array<i32>} : memref<1024xf32, #tpu.memory_space<vmem>>, vector<16xf32>,
    %get3A_532 = arith.constant 896 : index
    %get3A_533 = tpu.vector_load %arg6[%get3A_532] {strides = array<i32>} : memref<1024xf32, #tpu.memory_space<vmem>>, vector<16xf32>,
    %get3A_534 = vector.shape_cast %get3A_533 : vector<16xf32> to vector<16xf32>
    %mul3A_535 = arith.mulf %get3A_534, %broadcast_in_dim3A : vector<16xf32>
    %add3A_536 = arith.addf %mul3A_535, %broadcast_in_dim3A_28 : vector<16xf32>
    %swap3A_537 = arith.constant 896 : index
    %swap3A_538 = tpu.vector_load %arg6[%swap3A_537] {strides = array<i32>} : memref<1024xf32, #tpu.memory_space<vmem>>, vector<16xf32>,
    %swap3A_539 = vector.shape_cast %swap3A_538 : vector<16xf32> to vector<16xf32>
    %swap3A_540 = vector.shape_cast %add3A_536 : vector<16xf32> to vector<16xf32>
    tpu.vector_store %arg6[%swap3A_537], %swap3A_540 {strides = array<i32>} : memref<1024xf32, #tpu.memory_space<vmem>>, vector<16xf32>,
    %get3A_541 = arith.constant 912 : index
    %get3A_542 = tpu.vector_load %arg6[%get3A_541] {strides = array<i32>} : memref<1024xf32, #tpu.memory_space<vmem>>, vector<16xf32>,
    %get3A_543 = vector.shape_cast %get3A_542 : vector<16xf32> to vector<16xf32>
    %mul3A_544 = arith.mulf %get3A_543, %broadcast_in_dim3A : vector<16xf32>
    %add3A_545 = arith.addf %mul3A_544, %broadcast_in_dim3A_28 : vector<16xf32>
    %swap3A_546 = arith.constant 912 : index
    %swap3A_547 = tpu.vector_load %arg6[%swap3A_546] {strides = array<i32>} : memref<1024xf32, #tpu.memory_space<vmem>>, vector<16xf32>,
    %swap3A_548 = vector.shape_cast %swap3A_547 : vector<16xf32> to vector<16xf32>
    %swap3A_549 = vector.shape_cast %add3A_545 : vector<16xf32> to vector<16xf32>
    tpu.vector_store %arg6[%swap3A_546], %swap3A_549 {strides = array<i32>} : memref<1024xf32, #tpu.memory_space<vmem>>, vector<16xf32>,
    %get3A_550 = arith.constant 928 : index
    %get3A_551 = tpu.vector_load %arg6[%get3A_550] {strides = array<i32>} : memref<1024xf32, #tpu.memory_space<vmem>>, vector<16xf32>,
    %get3A_552 = vector.shape_cast %get3A_551 : vector<16xf32> to vector<16xf32>
    %mul3A_553 = arith.mulf %get3A_552, %broadcast_in_dim3A : vector<16xf32>
    %add3A_554 = arith.addf %mul3A_553, %broadcast_in_dim3A_28 : vector<16xf32>
    %swap3A_555 = arith.constant 928 : index
    %swap3A_556 = tpu.vector_load %arg6[%swap3A_555] {strides = array<i32>} : memref<1024xf32, #tpu.memory_space<vmem>>, vector<16xf32>,
    %swap3A_557 = vector.shape_cast %swap3A_556 : vector<16xf32> to vector<16xf32>
    %swap3A_558 = vector.shape_cast %add3A_554 : vector<16xf32> to vector<16xf32>
    tpu.vector_store %arg6[%swap3A_555], %swap3A_558 {strides = array<i32>} : memref<1024xf32, #tpu.memory_space<vmem>>, vector<16xf32>,
    %get3A_559 = arith.constant 944 : index
    %get3A_560 = tpu.vector_load %arg6[%get3A_559] {strides = array<i32>} : memref<1024xf32, #tpu.memory_space<vmem>>, vector<16xf32>,
    %get3A_561 = vector.shape_cast %get3A_560 : vector<16xf32> to vector<16xf32>
    %mul3A_562 = arith.mulf %get3A_561, %broadcast_in_dim3A : vector<16xf32>
    %add3A_563 = arith.addf %mul3A_562, %broadcast_in_dim3A_28 : vector<16xf32>
    %swap3A_564 = arith.constant 944 : index
    %swap3A_565 = tpu.vector_load %arg6[%swap3A_564] {strides = array<i32>} : memref<1024xf32, #tpu.memory_space<vmem>>, vector<16xf32>,
    %swap3A_566 = vector.shape_cast %swap3A_565 : vector<16xf32> to vector<16xf32>
    %swap3A_567 = vector.shape_cast %add3A_563 : vector<16xf32> to vector<16xf32>
    tpu.vector_store %arg6[%swap3A_564], %swap3A_567 {strides = array<i32>} : memref<1024xf32, #tpu.memory_space<vmem>>, vector<16xf32>,
    %get3A_568 = arith.constant 960 : index
    %get3A_569 = tpu.vector_load %arg6[%get3A_568] {strides = array<i32>} : memref<1024xf32, #tpu.memory_space<vmem>>, vector<16xf32>,
    %get3A_570 = vector.shape_cast %get3A_569 : vector<16xf32> to vector<16xf32>
    %mul3A_571 = arith.mulf %get3A_570, %broadcast_in_dim3A : vector<16xf32>
    %add3A_572 = arith.addf %mul3A_571, %broadcast_in_dim3A_28 : vector<16xf32>
    %swap3A_573 = arith.constant 960 : index
    %swap3A_574 = tpu.vector_load %arg6[%swap3A_573] {strides = array<i32>} : memref<1024xf32, #tpu.memory_space<vmem>>, vector<16xf32>,
    %swap3A_575 = vector.shape_cast %swap3A_574 : vector<16xf32> to vector<16xf32>
    %swap3A_576 = vector.shape_cast %add3A_572 : vector<16xf32> to vector<16xf32>
    tpu.vector_store %arg6[%swap3A_573], %swap3A_576 {strides = array<i32>} : memref<1024xf32, #tpu.memory_space<vmem>>, vector<16xf32>,
    %get3A_577 = arith.constant 976 : index
    %get3A_578 = tpu.vector_load %arg6[%get3A_577] {strides = array<i32>} : memref<1024xf32, #tpu.memory_space<vmem>>, vector<16xf32>,
    %get3A_579 = vector.shape_cast %get3A_578 : vector<16xf32> to vector<16xf32>
    %mul3A_580 = arith.mulf %get3A_579, %broadcast_in_dim3A : vector<16xf32>
    %add3A_581 = arith.addf %mul3A_580, %broadcast_in_dim3A_28 : vector<16xf32>
    %swap3A_582 = arith.constant 976 : index
    %swap3A_583 = tpu.vector_load %arg6[%swap3A_582] {strides = array<i32>} : memref<1024xf32, #tpu.memory_space<vmem>>, vector<16xf32>,
    %swap3A_584 = vector.shape_cast %swap3A_583 : vector<16xf32> to vector<16xf32>
    %swap3A_585 = vector.shape_cast %add3A_581 : vector<16xf32> to vector<16xf32>
    tpu.vector_store %arg6[%swap3A_582], %swap3A_585 {strides = array<i32>} : memref<1024xf32, #tpu.memory_space<vmem>>, vector<16xf32>,
    %get3A_586 = arith.constant 992 : index
    %get3A_587 = tpu.vector_load %arg6[%get3A_586] {strides = array<i32>} : memref<1024xf32, #tpu.memory_space<vmem>>, vector<16xf32>,
    %get3A_588 = vector.shape_cast %get3A_587 : vector<16xf32> to vector<16xf32>
    %mul3A_589 = arith.mulf %get3A_588, %broadcast_in_dim3A : vector<16xf32>
    %add3A_590 = arith.addf %mul3A_589, %broadcast_in_dim3A_28 : vector<16xf32>
    %swap3A_591 = arith.constant 992 : index
    %swap3A_592 = tpu.vector_load %arg6[%swap3A_591] {strides = array<i32>} : memref<1024xf32, #tpu.memory_space<vmem>>, vector<16xf32>,
    %swap3A_593 = vector.shape_cast %swap3A_592 : vector<16xf32> to vector<16xf32>
    %swap3A_594 = vector.shape_cast %add3A_590 : vector<16xf32> to vector<16xf32>
    tpu.vector_store %arg6[%swap3A_591], %swap3A_594 {strides = array<i32>} : memref<1024xf32, #tpu.memory_space<vmem>>, vector<16xf32>,
    %get3A_595 = arith.constant 1008 : index
    %get3A_596 = tpu.vector_load %arg6[%get3A_595] {strides = array<i32>} : memref<1024xf32, #tpu.memory_space<vmem>>, vector<16xf32>,
    %get3A_597 = vector.shape_cast %get3A_596 : vector<16xf32> to vector<16xf32>
    %mul3A_598 = arith.mulf %get3A_597, %broadcast_in_dim3A : vector<16xf32>
    %add3A_599 = arith.addf %mul3A_598, %broadcast_in_dim3A_28 : vector<16xf32>
    %swap3A_600 = arith.constant 1008 : index
    %swap3A_601 = tpu.vector_load %arg6[%swap3A_600] {strides = array<i32>} : memref<1024xf32, #tpu.memory_space<vmem>>, vector<16xf32>,
    %swap3A_602 = vector.shape_cast %swap3A_601 : vector<16xf32> to vector<16xf32>
    %swap3A_603 = vector.shape_cast %add3A_599 : vector<16xf32> to vector<16xf32>
    tpu.vector_store %arg6[%swap3A_600], %swap3A_603 {strides = array<i32>} : memref<1024xf32, #tpu.memory_space<vmem>>, vector<16xf32>,
    "tpu.region"() ({
      %run_scoped3A = tpu.sem_alloc : memref<!tpu.dma_semaphore, #tpu.memory_space<semaphore_mem>>
      %dma_start3A_604 = tpu.memref_slice %arg5[%mul3A_2] : memref<16384xf32, #tpu.memory_space<hbm>> -> memref<1024xf32, #tpu.memory_space<hbm>>
      %dma_start3A_605 = tpu.memref_slice %arg5[%mul3A_2] : memref<16384xf32, #tpu.memory_space<hbm>> -> memref<1024xf32, #tpu.memory_space<hbm>>
      tpu.enqueue_dma source(%arg6 : memref<1024xf32, #tpu.memory_space<vmem>>) target(%dma_start3A_605 : memref<1024xf32, #tpu.memory_space<hbm>>) target_semaphore(%run_scoped3A : memref<!tpu.dma_semaphore, #tpu.memory_space<semaphore_mem>>)
      %dma_wait3A_606 = tpu.memref_slice %arg5[%mul3A_2] : memref<16384xf32, #tpu.memory_space<hbm>> -> memref<1024xf32, #tpu.memory_space<hbm>>
      %dma_wait3A_607 = tpu.memref_slice %arg5[%mul3A_2] : memref<16384xf32, #tpu.memory_space<hbm>> -> memref<1024xf32, #tpu.memory_space<hbm>>
      tpu.wait_dma2 semaphore(%run_scoped3A : memref<!tpu.dma_semaphore, #tpu.memory_space<semaphore_mem>>) src(%arg6 : memref<1024xf32, #tpu.memory_space<vmem>>) dst(%dma_wait3A_607 : memref<1024xf32, #tpu.memory_space<hbm>>)
      tpu.yield
    }) : () -> ()
    return
  }
}

</mosaic_0001>

<sc_bundles>
// kernel: kernel.3.cloned.1.call-start
scs
__scs_entry_jumppad:
0x0: {  	(pc) =	sbr.rel $0x88, $3  }
0x1: {  	(tag) =	ssettag $0x0;
	lr =	simm.s32 $0x1  }
0x2: {  	[smem:$0x3F9E] =	sst lr;
	_ =	strace $0xD0000000  }
0x3: {  	_ = 	snop  }
0x4: {  	_ = 	snop  }
0x5: {  	_ = 	snop  }
0x6: {  	_ = 	snop  }
0x7: {  	_ = 	snop  }
__scs_overlays_trampoline_lowered:
0x8: {  	[smem:$0x3FAD] =	sst s0  }
0x9: {  	[smem:$0x3FAE] =	sst s1  }
0xa: {  	[smem:$0x3FAF] =	sst s2  }
0xb: {  	[smem:$0x3FB0] =	sst s3  }
0xc: {  	[smem:$0x3FB1] =	sst s4  }
0xd: {  	[smem:$0x3FB2] =	sst s5  }
0xe: {  	[smem:$0x3FB3] =	sst s6  }
0xf: {  	[smem:$0x3FB4] =	sst s7  }
0x10: {  	[smem:$0x3FB5] =	sst s8  }
0x11: {  	[smem:$0x3FB6] =	sst s9;
	s0 =	simm.s32 @!p0 $0x0  }
0x12: {  	s1 =	sld [smem:$0x3F9C];
	s0 =	simm.s32 @p0 $0x1  }
0x13: {  	[smem:$0x3FB7] =	sst s0;
	s0 =	simm.s32 @!p1 $0x0  }
0x14: {  	s2 =	sld [smem:$0x3F9B];
	s0 =	simm.s32 @p1 $0x1  }
0x15: {  	[smem:$0x3FB8] =	sst s0;
	s0 =	simm.s32 @!p2 $0x0  }
0x16: {  	s3 =	sld [smem:$0x3FDB];
	s0 =	simm.s32 @p2 $0x1  }
0x17: {  	s4 =	simm.s32 $0x1BF5;
	[smem:$0x3FBA] =	sst s0  }
0x18: {  	s0 =	sld [smem:$0x3F9D];
	_ =	swait.ge [sflag:s4], $0x0  }
0x19: {  	s7 =	sld [smem:$0x3F9E]  }
0x1a: {  	s8 =	sadd.s32 $0xFFFFE003, lr  }
0x1b: {  	s9 =	sadd.s32 $0xFFFFFEF7, lr;
	s5 =	simm.s32 $0xFFFFFFFF;
	p2 =	slt.u32 s8, $0xFFFFF086  }
0x1c: {  	p1 =	slt.u32 s9, $0xF7A;
	s5 =	simm.s32 @!p2 $0x0  }
0x1d: {  	s5 =	simm.s32 @p1 $0x1;
	p0 =	seq.s32 s7, s2  }
0x1e: {  	s7 =	smul.u32 @!p0 $0xF7A, s2;
	p2 =	seq.s32 @!p0 s5, $0x0  }
0x1f: {  	s9 =	smul.u32 $0xF7A, s1;
	s8 =	simm.s32 @!p0 $0x1BF5;
	p2 =	por !p2, p0  }
0x20: {  	[sflag:s8] =	ssyncset.s32 @!p0 $0xFFFFF086;
	s6 =	sadd.s32 @!p0 s3, s7;
	s7 =	simm.s32 @!p0 $0x108  }
0x21: {  	s3 =	sadd.s32 s3, s9;
	s6 =	sadd.s32 @!p0 $0x88, s6;
	s7 =	simm.s32 @p2 $0x1082  }
0x22: {  	[simem:s7], [sflag:s8] =	dma.local @!p0 [hbm:s6], $0xF7A  }
0x23: {  	s9 =	sor.u32 $0xD0000000, s2;
	s6 =	simm.s32 $0x108;
	_ =	swait.ge @!p0 [sflag:s8], $0x0  }
0x24: {  	s3 =	sadd.s32 $0x88, s3;
	s6 =	simm.s32 @!p1 $0x1082;
	[sflag:s4] =	ssyncset.s32 $0xFFFFF086  }
0x25: {  	[simem:s6], [sflag:s4] =	dma.local [hbm:s3], $0xF7A  }
0x26: {  	[smem:$0x3F9E] =	sst s1;
	(tag) =	ssettag s2;
	_ =	strace s9  }
0x27: {  	s1 =	sld [smem:$0x3FAE]  }
0x28: {  	s2 =	sld [smem:$0x3FAF]  }
0x29: {  	s4 =	sld [smem:$0x3FB1]  }
0x2a: {  	p0 =	seq.s32 s5, $0x0;
	s5 =	sld [smem:$0x3FB2]  }
0x2b: {  	s6 =	sld [smem:$0x3FB3]  }
0x2c: {  	s7 =	sld [smem:$0x3FB4]  }
0x2d: {  	s3 =	simm.s32 $0x108;
	s8 =	sld [smem:$0x3FB5]  }
0x2e: {  	s3 =	simm.s32 @!p0 $0x1082;
	s9 =	sld [smem:$0x3FB6]  }
0x2f: {  	lr =	sadd.s32 s0, s3;
	s0 =	sld [smem:$0x3FAD]  }
0x30: {  	s3 =	sld [smem:$0x3FB0]  }
0x31: {  	[smem:$0x3FB9] =	sst s10  }
0x32: {  	s10 =	sld [smem:$0x3FB7];
	_ =	sdelay $0x3  }
0x33: {  	p0 =	seq.s32 s10, $0x1;
	s10 =	sld [smem:$0x3FB9];
	_ =	sdelay $0x3  }
0x34: {  	[smem:$0x3FB9] =	sst s10  }
0x35: {  	s10 =	sld [smem:$0x3FB8];
	_ =	sdelay $0x3  }
0x36: {  	p1 =	seq.s32 s10, $0x1;
	s10 =	sld [smem:$0x3FB9];
	_ =	sdelay $0x3  }
0x37: {  	[smem:$0x3FB9] =	sst s10  }
0x38: {  	s10 =	sld [smem:$0x3FBA]  }
0x39: {  	_ = 	snop;
	(pc) =	sbr.ind lr, $3  }
0x3a: {  	_ = 	snop  }
0x3b: {  	_ = 	snop  }
0x3c: {  	p2 =	seq.s32 s10, $0x1;
	s10 =	sld [smem:$0x3FB9]  }
0x3d: {  	_ =	shalt  }
0x3e: {  	_ =	shalt  }
0x3f: {  	_ =	shalt  }
0x40: {  	_ =	shalt  }
0x41: {  	_ =	shalt  }
0x42: {  	_ =	shalt  }
0x43: {  	_ =	shalt  }
0x44: {  	_ =	shalt  }
0x45: {  	_ =	shalt  }
0x46: {  	_ =	shalt  }
0x47: {  	_ =	shalt  }
0x48: {  	_ =	shalt  }
0x49: {  	_ =	shalt  }
0x4a: {  	_ =	shalt  }
0x4b: {  	_ =	shalt  }
0x4c: {  	_ =	shalt  }
0x4d: {  	_ =	shalt  }
0x4e: {  	_ =	shalt  }
0x4f: {  	_ =	shalt  }
0x50: {  	_ =	shalt  }
0x51: {  	_ =	shalt  }
0x52: {  	_ =	shalt  }
0x53: {  	_ =	shalt  }
0x54: {  	_ =	shalt  }
0x55: {  	_ =	shalt  }
0x56: {  	_ =	shalt  }
0x57: {  	_ =	shalt  }
0x58: {  	_ =	shalt  }
0x59: {  	_ =	shalt  }
0x5a: {  	_ =	shalt  }
0x5b: {  	_ =	shalt  }
0x5c: {  	_ =	shalt  }
0x5d: {  	_ =	shalt  }
0x5e: {  	_ =	shalt  }
0x5f: {  	_ =	shalt  }
0x60: {  	_ =	shalt  }
0x61: {  	_ =	shalt  }
0x62: {  	_ =	shalt  }
0x63: {  	_ =	shalt  }
0x64: {  	_ =	shalt  }
0x65: {  	_ =	shalt  }
0x66: {  	_ =	shalt  }
0x67: {  	_ =	shalt  }
0x68: {  	_ =	shalt  }
0x69: {  	_ =	shalt  }
0x6a: {  	_ =	shalt  }
0x6b: {  	_ =	shalt  }
0x6c: {  	_ =	shalt  }
0x6d: {  	_ =	shalt  }
0x6e: {  	_ =	shalt  }
0x6f: {  	_ =	shalt  }
0x70: {  	_ =	shalt  }
0x71: {  	_ =	shalt  }
0x72: {  	_ =	shalt  }
0x73: {  	_ =	shalt  }
0x74: {  	_ =	shalt  }
0x75: {  	_ =	shalt  }
0x76: {  	_ =	shalt  }
0x77: {  	_ =	shalt  }
0x78: {  	_ =	shalt  }
0x79: {  	_ =	shalt  }
0x7a: {  	_ =	shalt  }
0x7b: {  	_ =	shalt  }
0x7c: {  	_ =	shalt  }
0x7d: {  	_ =	shalt  }
0x7e: {  	_ =	shalt  }
0x7f: {  	_ =	shalt  }
0x80: {  	_ =	shalt  }
0x81: {  	_ =	shalt  }
0x82: {  	_ =	shalt  }
0x83: {  	_ =	shalt  }
0x84: {  	_ =	shalt  }
0x85: {  	_ =	shalt  }
0x86: {  	_ =	shalt  }
0x87: {  	_ =	shalt  }
.Lfunc_end0:
.L_simem_size_0:
called_computation_lowered:
.L_overlay_start_0:
0x88: {  	s0 =	sld [smem:$0x3FD9]  }
0x89: {  	s1 =	sld [smem:$0x3FFE];
	_ =	sdelay $0x3  }
0x8a: {  	s0 =	sadd.s32 s1, s0  }
0x8b: {  	[smem:$0x3FC5] =	sst s0  }
0x8c: {  	_ = 	snop  }
0x8d: {  	s0 =	sld [smem:$0x3FC9]  }
0x8e: {  	s17 =	sld [smem:$0x3FC8]  }
0x8f: {  	s2 =	sld [smem:$0x3FC7]  }
0x90: {  	s3 =	sld [smem:$0x3FD0];
	(tm) =	ssettm $0x1  }
0x91: {  	s4 =	sld [smem:$0x3FFB];
	_ =	sdelay $0x3  }
0x92: {  	_ =	strace s4  }
0x93: {  	s4 =	sld [smem:$0x3FFC];
	_ =	sdelay $0x3  }
0x94: {  	_ =	strace s4  }
0x95: {  	s4 =	sld [smem:$0x3FFD];
	_ =	sdelay $0x3  }
0x96: {  	_ =	strace s4  }
0x97: {  	_ =	strace $0x8FFFFFFF  }
0x98: {  	s18 =	sld [smem:$0x3FDB];
	_ =	sdelay $0x1  }
0x99: {  	s5 =	simm.s32 $_scs_section_size  }
0x9a: {  	s6 =	simm.s32 $_size__tile_overlayer_lowered;
	s7 =	simm.s32 $_tile_overlayer_lowered  }
0x9b: {  	s21 =	simm.s32 $0x1BFF;
	s20 =	sshll.u32 s7, $0x1;
	s4 =	sadd.s32 s5, s18  }
0x9c: {  	s8 =	simm.s32 $0x0;
	s19 =	sshll.u32 s6, $0x1;
	s6 =	sadd.s32 s20, s4  }
0x9d: {  	[timem:s8], [sflag:s21] =	dma.local [hbm:s6], s19  }
0x9e: {  	_ =	swait.ge [sflag:s21], s19  }
0x9f: {  	s5 =	ssub.s32 $0x0, s19;
	[sflag:s21] =	ssyncset.done $0x0  }
0xa0: {  	[sflag:s21] =	ssyncadd.s32 s5;
	_ =	sdelay $0x1  }
0xa1: {  	s22 =	simm.s32 $0x1B8B  }
0xa2: {  	_ =	swait.ge [sflag:s22], $0x1  }
0xa3: {  	[sflag:s22] =	ssyncset.done $0x0  }
0xa4: {  	s23 =	simm.s32 $0x1B8E;
	[sflag:s22] =	ssyncadd.s32 $0xFFFFFFFF  }
0xa5: {  	s24 =	simm.s32 $execute0_lowered;
	[smem:$0x3FD2] =	sst s23  }
0xa6: {  	s5 =	sshll.u32 s24, $0x1;
	_ =	strace $0x80000046;
	[dreg:$0x1] =	wrdreg $0xFFFFFFFF  }
0xa7: {  	s25 =	simm.s32 $_size_execute0_lowered;
	s4 =	sadd.s32 s4, s5;
	[dreg:$0x0] =	wrdreg $0x0  }
0xa8: {  	s5 =	sshll.u32 s25, $0x1;
	[dreg:$0x2] =	wrdreg s4  }
0xa9: {  	[dreg:$0x3] =	wrdreg s5  }
0xaa: {  	[dreg:$0x4] =	wrdreg $0xC0  }
0xab: {  	_ =	task [dreg:s8], $0x5FFFF  }
0xac: {  	[dreg:$0x1] =	wrdreg $0xFFFFFFFF  }
0xad: {  	[dreg:$0x0] =	wrdreg $0x60  }
0xae: {  	[dreg:$0x2] =	wrdreg s0  }
0xaf: {  	[dreg:$0x3] =	wrdreg s17  }
0xb0: {  	[dreg:$0x4] =	wrdreg s2  }
0xb1: {  	[dreg:$0x5] =	wrdreg s3  }
0xb2: {  	[dreg:$0x6] =	wrdreg $0x9  }
0xb3: {  	_ =	task.clear_ibuf [dreg:s8], $0x7FFFF;
	_ =	strace $0x90000046  }
0xb4: {  	s26 =	simm.s32 $0x9;
	_ =	strace $0x80000048  }
0xb5: {  	_ =	swait.ge [sflag:s26], $0x1  }
0xb6: {  	[sflag:s26] =	ssyncadd.s32 $0xFFFFFFFF  }
0xb7: {  	_ =	strace $0x90000048  }
0xb8: {  	_ =	sfence  }
0xb9: {  	s28 =	sld [smem:$0x0];
	_ =	sdelay $0x1  }
0xba: {  	s29 =	srdreg.scid  }
0xbb: {  	s30 =	sshll.u32 s29, $0xD;
	s31 =	sshrl.u32 s29, $0x2  }
0xbc: {  	s1 =	sand.u32 $0x1, s29;
	s2 =	sand.u32 $0x4000, s30;
	s0 =	sadd.s32 s31, s28  }
0xbd: {  	s1 =	sor.u32 s2, s1;
	s0 =	sshll.u32 s0, $0x11  }
0xbe: {  	s0 =	sor.u32 s0, s1  }
0xbf: {  	s0 =	sadd.s32 $0x8F2B, s0  }
0xc0: {  	[sflag:s0] =	ssyncadd.remote.s32 $0x1  }
0xc1: {  	_ =	sfence.sel $0xFFFF  }
0xc2: {  	[dreg:$0x0] =	wrdreg $0xFFFFFFFF;
	(pc) =	sbr.abs _section_cstart, $3  }
0xc3: {  	[dreg:$0x1] =	wrdreg $0xFFFFFFFF  }
0xc4: {  	_ =	task.clear_ibuf [dreg:s8], $0x2FFFF;
	_ =	strace $0x9FFFFFFF  }
0xc5: {  	(tm) =	ssettm $0x7FFFFFFF  }
tec
execute0_lowered:
.L_overlay_start_1:
0x0: {  	(tag) =	ssettag $0x1  }
0x1: {  	s5 =	rddreg [dreg:$0x0]  }
0x2: {  	s6 =	rddreg [dreg:$0x1]  }
0x3: {  	s7 =	rddreg [dreg:$0x2]  }
0x4: {  	s2 =	rddreg [dreg:$0x3];
	s3 =	simm.s32 $0x0;
	s1 =	stileid.u32  }
0x5: {  	[smem:$0x7FF] =	sst s3;
	s4 =	sshll.u32 s1, $0x7  }
0x6: {  	s0 =	rddreg [dreg:$0x4];
	_ =	strace $0x80000047;
	s5 =	sadd.s32 s5, s4  }
0x7: {  	[tilespmem:s3], [sflag:$0x1] =	stream.linear.gather [hbm4b:s5+s3], $0x400, $0x38;
	[tilespmem:$0x500] =	vst v63  }
0x8: {  	s28 =	simm.s32 $0x400  }
0x9: {  	[tilespmem:s28], [sflag:$0x1] =	stream.linear.gather [hbm4b:s6+s3], $0x10, $0x38;
	[tilespmem:$0x500] =	vst v63  }
0xa: {  	s29 =	simm.s32 $0x480;
	s30 =	simm.s32 $0x1  }
0xb: {  	[tilespmem:s29], [sflag:$0x1] =	stream.linear.gather [hbm4b:s7+s3], $0x10, $0x38;
	[tilespmem:$0x500] =	vst v63  }
0xc: {  	_ =	swait.ge [sflag:s30], $0x400  }
0xd: {  	[sflag:s30] =	ssyncset.done $0x0  }
0xe: {  	[sflag:s30] =	ssyncadd.s32 $0xFFFFFC00  }
0xf: {  	_ =	swait.ge [sflag:s30], $0x10  }
0x10: {  	[sflag:s30] =	ssyncset.done $0x0  }
0x11: {  	[sflag:s30] =	ssyncadd.s32 $0xFFFFFFF0  }
0x12: {  	_ =	swait.ge [sflag:s30], $0x10  }
0x13: {  	[sflag:s30] =	ssyncset.done $0x0  }
0x14: {  	[sflag:s30] =	ssyncadd.s32 $0xFFFFFFF0  }
0x15: {  	v0 =	vld [tilespmem:$0x400]  }
0x16: {  	v2 =	vld [tilespmem:$0x480]  }
0x17: {  	v3 =	vld [tilespmem:$0x0]  }
0x18: {  	v4 =	vld [tilespmem:$0x10]  }
0x19: {  	v5 =	vld [tilespmem:$0x20]  }
0x1a: {  	v6 =	vld [tilespmem:$0x30]  }
0x1b: {  	v7 =	vld [tilespmem:$0x40];
	v1 =	vbroadcast v0, $0x3  }
0x1c: {  	v46 =	vld [tilespmem:$0x50]  }
0x1d: {  	v8 =	vld [tilespmem:$0x60];
	v0 =	vbroadcast v2, $0x3;
	v45 =	vmul.f32 v3, v1  }
0x1e: {  	v9 =	vld [tilespmem:$0x70];
	v4 =	vmul.f32 v4, v1  }
0x1f: {  	v10 =	vld [tilespmem:$0x80];
	v5 =	vmul.f32 v5, v1;
	v2 =	vadd.f32 v45, v0  }
0x20: {  	v49 =	vld [tilespmem:$0x90];
	v6 =	vmul.f32 v6, v1;
	v4 =	vadd.f32 v4, v0  }
0x21: {  	v51 =	vld [tilespmem:$0xA0];
	v48 =	vmul.f32 v7, v1;
	v47 =	vadd.f32 v5, v0;
	[tilespmem:$0x0] =	vst v2  }
0x22: {  	v54 =	vld [tilespmem:$0xB0];
	v3 =	vmul.f32 v46, v1;
	v50 =	vadd.f32 v6, v0;
	[tilespmem:$0x10] =	vst v4  }
0x23: {  	v56 =	vld [tilespmem:$0xC0];
	v53 =	vmul.f32 v8, v1;
	v52 =	vadd.f32 v48, v0;
	[tilespmem:$0x20] =	vst v47  }
0x24: {  	v59 =	vld [tilespmem:$0xD0];
	v55 =	vmul.f32 v9, v1;
	v3 =	vadd.f32 v3, v0;
	[tilespmem:$0x30] =	vst v50  }
0x25: {  	v62 =	vld [tilespmem:$0xE0];
	v58 =	vmul.f32 v10, v1;
	v57 =	vadd.f32 v53, v0;
	[tilespmem:$0x40] =	vst v52  }
0x26: {  	v13 =	vld [tilespmem:$0xF0];
	v61 =	vmul.f32 v49, v1;
	v60 =	vadd.f32 v55, v0;
	[tilespmem:$0x50] =	vst v3  }
0x27: {  	v16 =	vld [tilespmem:$0x100];
	v12 =	vmul.f32 v51, v1;
	v63 =	vadd.f32 v58, v0;
	[tilespmem:$0x60] =	vst v57  }
0x28: {  	v19 =	vld [tilespmem:$0x110];
	v15 =	vmul.f32 v54, v1;
	v14 =	vadd.f32 v61, v0;
	[tilespmem:$0x70] =	vst v60  }
0x29: {  	v22 =	vld [tilespmem:$0x120];
	v18 =	vmul.f32 v56, v1;
	v17 =	vadd.f32 v12, v0;
	[tilespmem:$0x80] =	vst v63  }
0x2a: {  	v25 =	vld [tilespmem:$0x130];
	v21 =	vmul.f32 v59, v1;
	v20 =	vadd.f32 v15, v0;
	[tilespmem:$0x90] =	vst v14  }
0x2b: {  	v28 =	vld [tilespmem:$0x140];
	v24 =	vmul.f32 v62, v1;
	v23 =	vadd.f32 v18, v0;
	[tilespmem:$0xA0] =	vst v17  }
0x2c: {  	v37 =	vld [tilespmem:$0x170];
	v27 =	vmul.f32 v13, v1;
	v26 =	vadd.f32 v21, v0;
	[tilespmem:$0xB0] =	vst v20  }
0x2d: {  	v40 =	vld [tilespmem:$0x180];
	v30 =	vmul.f32 v16, v1;
	v29 =	vadd.f32 v24, v0;
	[tilespmem:$0xC0] =	vst v23  }
0x2e: {  	v31 =	vld [tilespmem:$0x150];
	v33 =	vmul.f32 v19, v1;
	v32 =	vadd.f32 v27, v0;
	[tilespmem:$0xD0] =	vst v26  }
0x2f: {  	v34 =	vld [tilespmem:$0x160];
	v36 =	vmul.f32 v22, v1;
	v35 =	vadd.f32 v30, v0;
	[tilespmem:$0xE0] =	vst v29  }
0x30: {  	v43 =	vld [tilespmem:$0x190];
	v39 =	vmul.f32 v25, v1;
	v38 =	vadd.f32 v33, v0;
	[tilespmem:$0xF0] =	vst v32  }
0x31: {  	v46 =	vld [tilespmem:$0x1A0];
	v51 =	vmul.f32 v37, v1;
	v41 =	vadd.f32 v36, v0;
	[tilespmem:$0x100] =	vst v35  }
0x32: {  	v49 =	vld [tilespmem:$0x1B0];
	v54 =	vmul.f32 v40, v1;
	v44 =	vadd.f32 v39, v0;
	[tilespmem:$0x110] =	vst v38  }
0x33: {  	v42 =	vmul.f32 v28, v1;
	v55 =	vld [tilespmem:$0x1D0];
	v56 =	vadd.f32 v51, v0;
	[tilespmem:$0x120] =	vst v41  }
0x34: {  	v45 =	vmul.f32 v31, v1;
	v58 =	vld [tilespmem:$0x1E0];
	v59 =	vadd.f32 v54, v0;
	[tilespmem:$0x130] =	vst v44  }
0x35: {  	v48 =	vmul.f32 v34, v1;
	v61 =	vld [tilespmem:$0x1F0];
	v47 =	vadd.f32 v42, v0;
	[tilespmem:$0x170] =	vst v56  }
0x36: {  	v12 =	vld [tilespmem:$0x200];
	v50 =	vadd.f32 v45, v0;
	v57 =	vmul.f32 v43, v1;
	[tilespmem:$0x180] =	vst v59  }
0x37: {  	v15 =	vld [tilespmem:$0x210];
	v53 =	vadd.f32 v48, v0;
	v60 =	vmul.f32 v46, v1;
	[tilespmem:$0x140] =	vst v47  }
0x38: {  	v18 =	vld [tilespmem:$0x220];
	v63 =	vmul.f32 v49, v1;
	[tilespmem:$0x150] =	vst v50;
	v62 =	vadd.f32 v57, v0  }
0x39: {  	v21 =	vld [tilespmem:$0x230];
	[tilespmem:$0x160] =	vst v53;
	v13 =	vadd.f32 v60, v0;
	v17 =	vmul.f32 v55, v1  }
0x3a: {  	v24 =	vld [tilespmem:$0x240];
	v16 =	vadd.f32 v63, v0;
	v20 =	vmul.f32 v58, v1;
	[tilespmem:$0x190] =	vst v62  }
0x3b: {  	v27 =	vld [tilespmem:$0x250];
	v23 =	vmul.f32 v61, v1;
	[tilespmem:$0x1A0] =	vst v13;
	v22 =	vadd.f32 v17, v0  }
0x3c: {  	v30 =	vld [tilespmem:$0x260];
	v26 =	vmul.f32 v12, v1;
	[tilespmem:$0x1B0] =	vst v16;
	v25 =	vadd.f32 v20, v0  }
0x3d: {  	v33 =	vld [tilespmem:$0x270];
	v29 =	vmul.f32 v15, v1;
	v28 =	vadd.f32 v23, v0;
	[tilespmem:$0x1D0] =	vst v22  }
0x3e: {  	v36 =	vld [tilespmem:$0x280];
	v32 =	vmul.f32 v18, v1;
	v31 =	vadd.f32 v26, v0;
	[tilespmem:$0x1E0] =	vst v25  }
0x3f: {  	v39 =	vld [tilespmem:$0x290];
	v35 =	vmul.f32 v21, v1;
	v34 =	vadd.f32 v29, v0;
	[tilespmem:$0x1F0] =	vst v28  }
0x40: {  	v52 =	vld [tilespmem:$0x1C0];
	v38 =	vmul.f32 v24, v1;
	v37 =	vadd.f32 v32, v0;
	[tilespmem:$0x200] =	vst v31  }
0x41: {  	v41 =	vmul.f32 v27, v1;
	v40 =	vadd.f32 v35, v0;
	[tilespmem:$0x210] =	vst v34  }
0x42: {  	v42 =	vld [tilespmem:$0x2A0];
	v44 =	vmul.f32 v30, v1;
	v43 =	vadd.f32 v38, v0;
	[tilespmem:$0x220] =	vst v37  }
0x43: {  	v45 =	vld [tilespmem:$0x2B0];
	v47 =	vmul.f32 v33, v1;
	v46 =	vadd.f32 v41, v0;
	[tilespmem:$0x230] =	vst v40  }
0x44: {  	v48 =	vld [tilespmem:$0x2C0];
	v50 =	vmul.f32 v36, v1;
	v49 =	vadd.f32 v44, v0;
	[tilespmem:$0x240] =	vst v43  }
0x45: {  	v51 =	vld [tilespmem:$0x2D0];
	v53 =	vmul.f32 v39, v1;
	v14 =	vmul.f32 v52, v1;
	v52 =	vadd.f32 v47, v0;
	[tilespmem:$0x250] =	vst v46  }
0x46: {  	v54 =	vld [tilespmem:$0x2E0];
	v55 =	vadd.f32 v50, v0;
	[tilespmem:$0x260] =	vst v49  }
0x47: {  	v60 =	vld [tilespmem:$0x300];
	v56 =	vmul.f32 v42, v1;
	v58 =	vadd.f32 v53, v0;
	[tilespmem:$0x270] =	vst v52  }
0x48: {  	v63 =	vld [tilespmem:$0x310];
	v59 =	vmul.f32 v45, v1;
	v19 =	vadd.f32 v14, v0;
	[tilespmem:$0x280] =	vst v55  }
0x49: {  	v57 =	vld [tilespmem:$0x2F0];
	v62 =	vmul.f32 v48, v1;
	v61 =	vadd.f32 v56, v0;
	[tilespmem:$0x290] =	vst v58  }
0x4a: {  	v13 =	vmul.f32 v51, v1;
	v17 =	vld [tilespmem:$0x330];
	v12 =	vadd.f32 v59, v0;
	[tilespmem:$0x1C0] =	vst v19  }
0x4b: {  	v16 =	vmul.f32 v54, v1;
	v20 =	vld [tilespmem:$0x340];
	v15 =	vadd.f32 v62, v0;
	[tilespmem:$0x2A0] =	vst v61  }
0x4c: {  	v23 =	vld [tilespmem:$0x350];
	v18 =	vadd.f32 v13, v0;
	v22 =	vmul.f32 v60, v1;
	[tilespmem:$0x2B0] =	vst v12  }
0x4d: {  	v26 =	vld [tilespmem:$0x360];
	v21 =	vadd.f32 v16, v0;
	v25 =	vmul.f32 v63, v1;
	[tilespmem:$0x2C0] =	vst v15  }
0x4e: {  	v29 =	vld [tilespmem:$0x370];
	v19 =	vmul.f32 v57, v1;
	[tilespmem:$0x2D0] =	vst v18;
	v27 =	vadd.f32 v22, v0  }
0x4f: {  	v32 =	vld [tilespmem:$0x380];
	[tilespmem:$0x2E0] =	vst v21;
	v30 =	vadd.f32 v25, v0;
	v31 =	vmul.f32 v17, v1  }
0x50: {  	v35 =	vld [tilespmem:$0x390];
	v34 =	vmul.f32 v20, v1;
	v24 =	vadd.f32 v19, v0;
	[tilespmem:$0x300] =	vst v27  }
0x51: {  	v38 =	vld [tilespmem:$0x3A0];
	v37 =	vmul.f32 v23, v1;
	[tilespmem:$0x310] =	vst v30;
	v36 =	vadd.f32 v31, v0  }
0x52: {  	v41 =	vld [tilespmem:$0x3B0];
	v40 =	vmul.f32 v26, v1;
	v39 =	vadd.f32 v34, v0;
	[tilespmem:$0x2F0] =	vst v24  }
0x53: {  	v44 =	vld [tilespmem:$0x3C0];
	v43 =	vmul.f32 v29, v1;
	v42 =	vadd.f32 v37, v0;
	[tilespmem:$0x330] =	vst v36  }
0x54: {  	v47 =	vld [tilespmem:$0x3D0];
	v46 =	vmul.f32 v32, v1;
	v45 =	vadd.f32 v40, v0;
	[tilespmem:$0x340] =	vst v39  }
0x55: {  	v50 =	vld [tilespmem:$0x3E0];
	v49 =	vmul.f32 v35, v1;
	v48 =	vadd.f32 v43, v0;
	[tilespmem:$0x350] =	vst v42  }
0x56: {  	v14 =	vld [tilespmem:$0x320];
	v52 =	vmul.f32 v38, v1;
	v51 =	vadd.f32 v46, v0;
	[tilespmem:$0x360] =	vst v45  }
0x57: {  	v53 =	vld [tilespmem:$0x3F0];
	v55 =	vmul.f32 v41, v1;
	v54 =	vadd.f32 v49, v0;
	[tilespmem:$0x370] =	vst v48  }
0x58: {  	v57 =	vmul.f32 v44, v1;
	v56 =	vadd.f32 v52, v0;
	[tilespmem:$0x380] =	vst v51  }
0x59: {  	v59 =	vmul.f32 v47, v1;
	v58 =	vadd.f32 v55, v0;
	[tilespmem:$0x390] =	vst v54  }
0x5a: {  	v61 =	vmul.f32 v50, v1;
	v60 =	vadd.f32 v57, v0;
	[tilespmem:$0x3A0] =	vst v56  }
0x5b: {  	v28 =	vmul.f32 v14, v1;
	v62 =	vadd.f32 v59, v0;
	[tilespmem:$0x3B0] =	vst v58  }
0x5c: {  	v1 =	vmul.f32 v53, v1;
	v63 =	vadd.f32 v61, v0;
	[tilespmem:$0x3C0] =	vst v60  }
0x5d: {  	v33 =	vadd.f32 v28, v0;
	[tilespmem:$0x3D0] =	vst v62  }
0x5e: {  	v0 =	vadd.f32 v1, v0;
	[tilespmem:$0x3E0] =	vst v63  }
0x5f: {  	[tilespmem:$0x320] =	vst v33  }
0x60: {  	s31 =	simm.s32 $0x2;
	s2 =	sadd.s32 s2, s4;
	[tilespmem:$0x3F0] =	vst v0  }
0x61: {  	[hbm4b:s2+s3] =	stream.linear.scatter [tilespmem:s3], [sflag:$0x2], $0x400, $0x38;
	[tilespmem:$0x500] =	vst v63  }
0x62: {  	_ =	swait.ge [sflag:s31], $0x400  }
0x63: {  	[sflag:s31] =	ssyncset.done $0x0  }
0x64: {  	[sflag:s31] =	ssyncadd.s32 $0xFFFFFC00  }
0x65: {  	_ =	sfence.sel $0x180000  }
0x66: {  	[bflag:$0x0] =	sbarrier.arrive $0xFFFF  }
0x67: {  	p0 =	sne.s32 s1, $0x0;
	_ =	strace $0x90000047  }
0x68: {  	s0 =	sadd.s32 @!p0 $0x100000, s0;
	[bflag:$0x2] =	sbarrier.arrive $0xFFFF  }
0x69: {  	[sflag:s0] =	ssyncadd.tile.s32 @!p0 $0x1;
	_ =	shalt  }
.Lfunc_end2:
_tile_overlayer_lowered:
.L_overlay_start_2:
0x6a: {  	(tag) =	ssettag $0x2  }
0x6b: {  	s0 =	rddreg [dreg:$0x0];
	s2 =	stileid.u32  }
0x6c: {  	s1 =	rddreg [dreg:$0x1];
	p0 =	sne.s32 s2, $0x0  }
0x6d: {  	s3 =	rddreg [dreg:$0x2];
	[bflag:$0x3] =	sbarrier.arrive $0xFFFF;
	s2 =	simm.s32 @!p0 $0x1C02  }
0x6e: {  	[timem:s3], [sflag:s2] =	dma.local @!p0 [hbm:s0], s1  }
0x6f: {  	s0 =	simm.s32 @!p0 $0x2  }
0x70: {  	_ =	swait.ge @!p0 [sflag:s0], s1  }
0x71: {  	s1 =	ssub.s32 @!p0 $0x0, s1;
	[sflag:s0] =	ssyncset.done @!p0 $0x0  }
0x72: {  	[sflag:s0] =	ssyncadd.s32 @!p0 s1  }
0x73: {  	[bflag:$0x3] =	sbarrier.arrive $0xFFFF  }
0x74: {  	_ =	shalt  }

</sc_bundles>
